<compile_context>
chip_gen: v7x
topology: tpu7x:2x2x1
jax: 0.10.2.dev20260603
libtpu: 0.0.44.dev20260713+nightly
codegen_flags: <defaults>
</compile_context>

<pallas_src>
import functools

import jax
import jax.numpy as jnp
from jax import lax
from jax.experimental import pallas as pl
from jax.experimental.pallas import tpu as pltpu
from jax.experimental.pallas import tpu_sc as plsc

L = 16
VREGS = 16
ROW = 224
NC = 2
NS = 16
NW = NC * NS
R = 8 * 96 * 224
ROWS_PER_W = R // NW
CHUNK = 64
NCHUNKS = ROWS_PER_W // CHUNK


_INF = object()


def _sort16(v, descending):
    if v is _INF:
        return _INF
    if descending:
        return plsc.sort_key_val(v, v, descending=True)[0]
    return jnp.sort(v)


def _smin(a, b):
    if a is _INF:
        return b
    if b is _INF:
        return a
    return jnp.minimum(a, b)


def _smax(a, b):
    if a is _INF or b is _INF:
        return _INF
    return jnp.maximum(a, b)


def _sort_row_vregs(vs):
    vs = list(vs)
    for v in range(VREGS):
        vs[v] = _sort16(vs[v], descending=(v & 1) == 1)
    for K in (2, 4, 8, 16):
        J = K // 2
        while J >= 1:
            for v in range(VREGS):
                if v & J == 0:
                    p = v | J
                    a, b = vs[v], vs[p]
                    lo = _smin(a, b)
                    hi = _smax(a, b)
                    if (v & K) == 0:
                        vs[v], vs[p] = lo, hi
                    else:
                        vs[v], vs[p] = hi, lo
            J //= 2
        for v in range(VREGS):
            vs[v] = _sort16(vs[v], descending=(v & K) != 0)
    assert all(vs[i] is not _INF for i in range(ROW // L))
    assert all(vs[i] is _INF for i in range(ROW // L, VREGS))
    return vs


def _sc_body(x_hbm, out_hbm, in0, in1, out0, out1, si0, si1, so0, so1):
    c = lax.axis_index("c")
    s = lax.axis_index("s")
    wid = s * NC + c
    base = wid * ROWS_PER_W
    ins, outs = (in0, in1), (out0, out1)
    sis, sos = (si0, si1), (so0, so1)

    def cs(idx):
        return pl.ds(base + idx * CHUNK, CHUNK)

    pltpu.async_copy(x_hbm.at[cs(0)], in0, si0)

    def outer_body(oi, carry):
        for b in range(2):
            idx = oi * 2 + b
            nb = 1 - b

            @pl.when(idx + 1 < NCHUNKS)
            def _():
                pltpu.async_copy(x_hbm.at[cs(idx + 1)], ins[nb], sis[nb])

            pltpu.make_async_copy(x_hbm.at[cs(idx)], ins[b], sis[b]).wait()

            @pl.when(idx >= 2)
            def _():
                pltpu.make_async_copy(outs[b], out_hbm.at[cs(idx - 2)],
                                      sos[b]).wait()

            @plsc.parallel_loop(0, CHUNK, 1, unroll=1)
            def row_body(r):
                vs = [ins[b][r, pl.ds(i * L, L)] for i in range(ROW // L)]
                vs += [_INF, _INF]
                vs = _sort_row_vregs(vs)
                for i in range(ROW // L):
                    outs[b][r, pl.ds(i * L, L)] = vs[i]
            pltpu.async_copy(outs[b], out_hbm.at[cs(idx)], sos[b])
        return carry

    lax.fori_loop(0, NCHUNKS // 2, outer_body, 0)
    pltpu.make_async_copy(out0, out_hbm.at[cs(NCHUNKS - 2)], so0).wait()
    pltpu.make_async_copy(out1, out_hbm.at[cs(NCHUNKS - 1)], so1).wait()


@jax.jit
def kernel(x):
    x2 = x.reshape(R, ROW)
    mesh = plsc.VectorSubcoreMesh(core_axis_name="c", subcore_axis_name="s")
    out = pl.kernel(
        _sc_body,
        out_type=jax.ShapeDtypeStruct((R, ROW), jnp.float32),
        mesh=mesh,
        scratch_types=[
            pltpu.VMEM((CHUNK, ROW), jnp.float32),
            pltpu.VMEM((CHUNK, ROW), jnp.float32),
            pltpu.VMEM((CHUNK, ROW), jnp.float32),
            pltpu.VMEM((CHUNK, ROW), jnp.float32),
            pltpu.SemaphoreType.DMA,
            pltpu.SemaphoreType.DMA,
            pltpu.SemaphoreType.DMA,
            pltpu.SemaphoreType.DMA,
        ],
        compiler_params=pltpu.CompilerParams(needs_layout_passes=False),
    )(x2)
    return out.reshape(x.shape)

# --- scband reference (transcript-rebuilt; emitter-appended) ---
"""Pipeline reference for scband-extraction-modifier-89489938579600 (READ-ONLY COPY).

The authoritative reference and input builder live on the scoring server;
editing this copy changes nothing except your own understanding.
"""

import jax, jax.numpy as jnp
import numpy as np


def setup_inputs(seed: int = 0) -> dict:
    key = jax.random.key(seed)
    x = jax.random.normal(key, (8, 96, 224, 224), dtype=jnp.float32)
    return {"x": x}


def reference(x):
    # extractor = nn.Identity(), so ys = x (a single tensor). Iterating over a
    # torch tensor yields per-batch slices y of shape [C, H, W].
    # Each is viewed as (y.size(0), y.size(1), -1) -> [C, H, W] and sorted along
    # the last dim (modification='sort', shape_policy='default',
    # return_policy='new' so only the modified features are returned).
    B = x.shape[0]
    moded_ys = []
    for i in range(B):
        y = x[i]
        y2 = y.reshape(y.shape[0], y.shape[1], -1)
        moded_ys.append(jnp.sort(y2, axis=-1))
    # torch returns a Python list of B tensors [C, H, W]; stack for a single array
    return jnp.stack(moded_ys, axis=0)

if __name__ == "__main__":
    import jax
    _d = setup_inputs()
    print(jax.jit(kernel)(*tuple(_d.values())))

</pallas_src>

<mosaic_0001>
#map = affine_map<(d0, d1) -> (0, 0)>
module attributes {stable_mosaic.version = 14 : i64} {
  func.func @_sc_body(%arg0: i32, %arg1: i32, %arg2: memref<172032x224xf32, #tpu.memory_space<hbm>>, %arg3: memref<172032x224xf32, #tpu.memory_space<hbm>>, %arg4: memref<64x224xf32, #tpu.memory_space<vmem>>, %arg5: memref<64x224xf32, #tpu.memory_space<vmem>>, %arg6: memref<64x224xf32, #tpu.memory_space<vmem>>, %arg7: memref<64x224xf32, #tpu.memory_space<vmem>>, %arg8: memref<!tpu.dma_semaphore, #tpu.memory_space<semaphore_mem>>, %arg9: memref<!tpu.dma_semaphore, #tpu.memory_space<semaphore_mem>>, %arg10: memref<!tpu.dma_semaphore, #tpu.memory_space<semaphore_mem>>, %arg11: memref<!tpu.dma_semaphore, #tpu.memory_space<semaphore_mem>>) attributes {dimension_semantics = [#tpu.dimension_semantics<core_parallel>, #tpu.dimension_semantics<subcore_parallel>], iteration_bounds = array<i64: 2, 16>, scalar_prefetch = 0 : i64, scratch_operands = 8 : i64, tpu.core_type = #tpu.core_type<sc_vector_subcore>, window_params = [{transform_indices = #map}, {transform_indices = #map}]} {
    %mul3A = arith.constant 2 : i32
    %mul3A_0 = arith.muli %arg1, %mul3A : i32
    %add3A = arith.addi %mul3A_0, %arg0 : i32
    %mul3A_1 = arith.constant 5376 : i32
    %mul3A_2 = arith.muli %add3A, %mul3A_1 : i32
    %add3A_3 = arith.constant 0 : i32
    %add3A_4 = arith.addi %mul3A_2, %add3A_3 : i32
    %dma_start3A = arith.constant 0 : i32
    %dma_start3A_5 = tpu.memref_slice %arg2[%add3A_4, %dma_start3A] : memref<172032x224xf32, #tpu.memory_space<hbm>> -> memref<64x224xf32, #tpu.memory_space<hbm>>
    %dma_start3A_6 = arith.constant 0 : i32
    %dma_start3A_7 = tpu.memref_slice %arg2[%add3A_4, %dma_start3A_6] : memref<172032x224xf32, #tpu.memory_space<hbm>> -> memref<64x224xf32, #tpu.memory_space<hbm>>
    tpu.enqueue_dma source(%dma_start3A_7 : memref<64x224xf32, #tpu.memory_space<hbm>>) target(%arg4 : memref<64x224xf32, #tpu.memory_space<vmem>>) target_semaphore(%arg8 : memref<!tpu.dma_semaphore, #tpu.memory_space<semaphore_mem>>)
    %scan3A = arith.constant 0 : i32
    %scan3A_8 = arith.constant 0 : i32
    %scan3A_9 = arith.constant 42 : i32
    %scan3A_10 = arith.addi %scan3A_8, %scan3A_9 : i32
    %scan3A_11 = arith.constant 1 : i32
    scf.for %scan3A_24 = %scan3A_8 to %scan3A_10 step %scan3A_11  : i32 {
      %mul3A_25 = arith.constant 2 : i32
      %mul3A_26 = arith.muli %scan3A_24, %mul3A_25 : i32
      %add3A_27 = arith.constant 0 : i32
      %add3A_28 = arith.addi %mul3A_26, %add3A_27 : i32
      %add3A_29 = arith.constant 1 : i32
      %add3A_30 = arith.addi %add3A_28, %add3A_29 : i32
      %lt3A = arith.constant 84 : i32
      %lt3A_31 = arith.cmpi slt, %add3A_30, %lt3A : i32
      %convert_element_type3A = arith.extui %lt3A_31 : i1 to i32
      %cond3A = arith.constant 0 : i32
      %cond3A_32 = arith.cmpi ne, %convert_element_type3A, %cond3A : i32
      scf.if %cond3A_32 {
        %add3A_86 = arith.constant 1 : i32
        %add3A_87 = arith.addi %add3A_28, %add3A_86 : i32
        %mul3A_88 = arith.constant 64 : i32
        %mul3A_89 = arith.muli %add3A_87, %mul3A_88 : i32
        %add3A_90 = arith.addi %mul3A_2, %mul3A_89 : i32
        %dma_start3A_91 = arith.constant 0 : i32
        %dma_start3A_92 = tpu.memref_slice %arg2[%add3A_90, %dma_start3A_91] : memref<172032x224xf32, #tpu.memory_space<hbm>> -> memref<64x224xf32, #tpu.memory_space<hbm>>
        %dma_start3A_93 = arith.constant 0 : i32
        %dma_start3A_94 = tpu.memref_slice %arg2[%add3A_90, %dma_start3A_93] : memref<172032x224xf32, #tpu.memory_space<hbm>> -> memref<64x224xf32, #tpu.memory_space<hbm>>
        tpu.enqueue_dma source(%dma_start3A_94 : memref<64x224xf32, #tpu.memory_space<hbm>>) target(%arg5 : memref<64x224xf32, #tpu.memory_space<vmem>>) target_semaphore(%arg9 : memref<!tpu.dma_semaphore, #tpu.memory_space<semaphore_mem>>)
      } else {
      }
      %mul3A_33 = arith.constant 64 : i32
      %mul3A_34 = arith.muli %add3A_28, %mul3A_33 : i32
      %add3A_35 = arith.addi %mul3A_2, %mul3A_34 : i32
      %dma_wait3A_36 = arith.constant 0 : i32
      %dma_wait3A_37 = tpu.memref_slice %arg2[%add3A_35, %dma_wait3A_36] : memref<172032x224xf32, #tpu.memory_space<hbm>> -> memref<64x224xf32, #tpu.memory_space<hbm>>
      %dma_wait3A_38 = arith.constant 0 : i32
      %dma_wait3A_39 = tpu.memref_slice %arg2[%add3A_35, %dma_wait3A_38] : memref<172032x224xf32, #tpu.memory_space<hbm>> -> memref<64x224xf32, #tpu.memory_space<hbm>>
      tpu.wait_dma2 semaphore(%arg8 : memref<!tpu.dma_semaphore, #tpu.memory_space<semaphore_mem>>) src(%dma_wait3A_39 : memref<64x224xf32, #tpu.memory_space<hbm>>) dst(%arg4 : memref<64x224xf32, #tpu.memory_space<vmem>>)
      %ge3A = arith.constant 2 : i32
      %ge3A_40 = arith.cmpi sge, %add3A_28, %ge3A : i32
      %convert_element_type3A_41 = arith.extui %ge3A_40 : i1 to i32
      %cond3A_42 = arith.constant 0 : i32
      %cond3A_43 = arith.cmpi ne, %convert_element_type3A_41, %cond3A_42 : i32
      scf.if %cond3A_43 {
        %sub3A = arith.constant 2 : i32
        %sub3A_86 = arith.subi %add3A_28, %sub3A : i32
        %mul3A_87 = arith.constant 64 : i32
        %mul3A_88 = arith.muli %sub3A_86, %mul3A_87 : i32
        %add3A_89 = arith.addi %mul3A_2, %mul3A_88 : i32
        %dma_wait3A_90 = arith.constant 0 : i32
        %dma_wait3A_91 = tpu.memref_slice %arg3[%add3A_89, %dma_wait3A_90] : memref<172032x224xf32, #tpu.memory_space<hbm>> -> memref<64x224xf32, #tpu.memory_space<hbm>>
        %dma_wait3A_92 = arith.constant 0 : i32
        %dma_wait3A_93 = tpu.memref_slice %arg3[%add3A_89, %dma_wait3A_92] : memref<172032x224xf32, #tpu.memory_space<hbm>> -> memref<64x224xf32, #tpu.memory_space<hbm>>
        tpu.wait_dma2 semaphore(%arg10 : memref<!tpu.dma_semaphore, #tpu.memory_space<semaphore_mem>>) src(%arg6 : memref<64x224xf32, #tpu.memory_space<vmem>>) dst(%dma_wait3A_93 : memref<64x224xf32, #tpu.memory_space<hbm>>)
      } else {
      }
      %parallel_loop3A = arith.constant 0 : i32
      %parallel_loop3A_44 = arith.constant 64 : i32
      %parallel_loop3A_45 = arith.constant 1 : i32
      scf.for %parallel_loop3A_86 = %parallel_loop3A to %parallel_loop3A_44 step %parallel_loop3A_45  : i32 {
        %parallel_loop3A_87 = arith.index_cast %parallel_loop3A_86 : i32 to index
        %parallel_loop3A_88 = arith.constant 0 : index
        %parallel_loop3A_89 = tpu.vector_load %arg4[%parallel_loop3A_87, %parallel_loop3A_88] {strides = array<i32>} : memref<64x224xf32, #tpu.memory_space<vmem>>, vector<16xf32>,
        %parallel_loop3A_90 = arith.index_cast %parallel_loop3A_86 : i32 to index
        %parallel_loop3A_91 = arith.constant 16 : index
        %parallel_loop3A_92 = tpu.vector_load %arg4[%parallel_loop3A_90, %parallel_loop3A_91] {strides = array<i32>} : memref<64x224xf32, #tpu.memory_space<vmem>>, vector<16xf32>,
        %parallel_loop3A_93 = arith.index_cast %parallel_loop3A_86 : i32 to index
        %parallel_loop3A_94 = arith.constant 32 : index
        %parallel_loop3A_95 = tpu.vector_load %arg4[%parallel_loop3A_93, %parallel_loop3A_94] {strides = array<i32>} : memref<64x224xf32, #tpu.memory_space<vmem>>, vector<16xf32>,
        %parallel_loop3A_96 = arith.index_cast %parallel_loop3A_86 : i32 to index
        %parallel_loop3A_97 = arith.constant 48 : index
        %parallel_loop3A_98 = tpu.vector_load %arg4[%parallel_loop3A_96, %parallel_loop3A_97] {strides = array<i32>} : memref<64x224xf32, #tpu.memory_space<vmem>>, vector<16xf32>,
        %parallel_loop3A_99 = arith.index_cast %parallel_loop3A_86 : i32 to index
        %parallel_loop3A_100 = arith.constant 64 : index
        %parallel_loop3A_101 = tpu.vector_load %arg4[%parallel_loop3A_99, %parallel_loop3A_100] {strides = array<i32>} : memref<64x224xf32, #tpu.memory_space<vmem>>, vector<16xf32>,
        %parallel_loop3A_102 = arith.index_cast %parallel_loop3A_86 : i32 to index
        %parallel_loop3A_103 = arith.constant 80 : index
        %parallel_loop3A_104 = tpu.vector_load %arg4[%parallel_loop3A_102, %parallel_loop3A_103] {strides = array<i32>} : memref<64x224xf32, #tpu.memory_space<vmem>>, vector<16xf32>,
        %parallel_loop3A_105 = arith.index_cast %parallel_loop3A_86 : i32 to index
        %parallel_loop3A_106 = arith.constant 96 : index
        %parallel_loop3A_107 = tpu.vector_load %arg4[%parallel_loop3A_105, %parallel_loop3A_106] {strides = array<i32>} : memref<64x224xf32, #tpu.memory_space<vmem>>, vector<16xf32>,
        %parallel_loop3A_108 = arith.index_cast %parallel_loop3A_86 : i32 to index
        %parallel_loop3A_109 = arith.constant 112 : index
        %parallel_loop3A_110 = tpu.vector_load %arg4[%parallel_loop3A_108, %parallel_loop3A_109] {strides = array<i32>} : memref<64x224xf32, #tpu.memory_space<vmem>>, vector<16xf32>,
        %parallel_loop3A_111 = arith.index_cast %parallel_loop3A_86 : i32 to index
        %parallel_loop3A_112 = arith.constant 128 : index
        %parallel_loop3A_113 = tpu.vector_load %arg4[%parallel_loop3A_111, %parallel_loop3A_112] {strides = array<i32>} : memref<64x224xf32, #tpu.memory_space<vmem>>, vector<16xf32>,
        %parallel_loop3A_114 = arith.index_cast %parallel_loop3A_86 : i32 to index
        %parallel_loop3A_115 = arith.constant 144 : index
        %parallel_loop3A_116 = tpu.vector_load %arg4[%parallel_loop3A_114, %parallel_loop3A_115] {strides = array<i32>} : memref<64x224xf32, #tpu.memory_space<vmem>>, vector<16xf32>,
        %parallel_loop3A_117 = arith.index_cast %parallel_loop3A_86 : i32 to index
        %parallel_loop3A_118 = arith.constant 160 : index
        %parallel_loop3A_119 = tpu.vector_load %arg4[%parallel_loop3A_117, %parallel_loop3A_118] {strides = array<i32>} : memref<64x224xf32, #tpu.memory_space<vmem>>, vector<16xf32>,
        %parallel_loop3A_120 = arith.index_cast %parallel_loop3A_86 : i32 to index
        %parallel_loop3A_121 = arith.constant 176 : index
        %parallel_loop3A_122 = tpu.vector_load %arg4[%parallel_loop3A_120, %parallel_loop3A_121] {strides = array<i32>} : memref<64x224xf32, #tpu.memory_space<vmem>>, vector<16xf32>,
        %parallel_loop3A_123 = arith.index_cast %parallel_loop3A_86 : i32 to index
        %parallel_loop3A_124 = arith.constant 192 : index
        %parallel_loop3A_125 = tpu.vector_load %arg4[%parallel_loop3A_123, %parallel_loop3A_124] {strides = array<i32>} : memref<64x224xf32, #tpu.memory_space<vmem>>, vector<16xf32>,
        %parallel_loop3A_126 = arith.index_cast %parallel_loop3A_86 : i32 to index
        %parallel_loop3A_127 = arith.constant 208 : index
        %parallel_loop3A_128 = tpu.vector_load %arg4[%parallel_loop3A_126, %parallel_loop3A_127] {strides = array<i32>} : memref<64x224xf32, #tpu.memory_space<vmem>>, vector<16xf32>,
        %parallel_loop3A_129 = arith.constant dense<true> : vector<16xi1>
        %parallel_loop3A_130, %parallel_loop3A_131, %parallel_loop3A_132 = tpu.sort %parallel_loop3A_89, %parallel_loop3A_89 masked %parallel_loop3A_129 : (vector<16xf32>, vector<16xf32>, vector<16xi1>) -> (vector<16xi1>, vector<16xf32>, vector<16xf32>)
        %parallel_loop3A_133 = arith.constant dense<true> : vector<16xi1>
        %parallel_loop3A_134, %parallel_loop3A_135, %parallel_loop3A_136 = tpu.sort %parallel_loop3A_92, %parallel_loop3A_92 masked %parallel_loop3A_133 {descending = true} : (vector<16xf32>, vector<16xf32>, vector<16xi1>) -> (vector<16xi1>, vector<16xf32>, vector<16xf32>)
        %parallel_loop3A_137 = arith.constant dense<true> : vector<16xi1>
        %parallel_loop3A_138, %parallel_loop3A_139, %parallel_loop3A_140 = tpu.sort %parallel_loop3A_95, %parallel_loop3A_95 masked %parallel_loop3A_137 : (vector<16xf32>, vector<16xf32>, vector<16xi1>) -> (vector<16xi1>, vector<16xf32>, vector<16xf32>)
        %parallel_loop3A_141 = arith.constant dense<true> : vector<16xi1>
        %parallel_loop3A_142, %parallel_loop3A_143, %parallel_loop3A_144 = tpu.sort %parallel_loop3A_98, %parallel_loop3A_98 masked %parallel_loop3A_141 {descending = true} : (vector<16xf32>, vector<16xf32>, vector<16xi1>) -> (vector<16xi1>, vector<16xf32>, vector<16xf32>)
        %parallel_loop3A_145 = arith.constant dense<true> : vector<16xi1>
        %parallel_loop3A_146, %parallel_loop3A_147, %parallel_loop3A_148 = tpu.sort %parallel_loop3A_101, %parallel_loop3A_101 masked %parallel_loop3A_145 : (vector<16xf32>, vector<16xf32>, vector<16xi1>) -> (vector<16xi1>, vector<16xf32>, vector<16xf32>)
        %parallel_loop3A_149 = arith.constant dense<true> : vector<16xi1>
        %parallel_loop3A_150, %parallel_loop3A_151, %parallel_loop3A_152 = tpu.sort %parallel_loop3A_104, %parallel_loop3A_104 masked %parallel_loop3A_149 {descending = true} : (vector<16xf32>, vector<16xf32>, vector<16xi1>) -> (vector<16xi1>, vector<16xf32>, vector<16xf32>)
        %parallel_loop3A_153 = arith.constant dense<true> : vector<16xi1>
        %parallel_loop3A_154, %parallel_loop3A_155, %parallel_loop3A_156 = tpu.sort %parallel_loop3A_107, %parallel_loop3A_107 masked %parallel_loop3A_153 : (vector<16xf32>, vector<16xf32>, vector<16xi1>) -> (vector<16xi1>, vector<16xf32>, vector<16xf32>)
        %parallel_loop3A_157 = arith.constant dense<true> : vector<16xi1>
        %parallel_loop3A_158, %parallel_loop3A_159, %parallel_loop3A_160 = tpu.sort %parallel_loop3A_110, %parallel_loop3A_110 masked %parallel_loop3A_157 {descending = true} : (vector<16xf32>, vector<16xf32>, vector<16xi1>) -> (vector<16xi1>, vector<16xf32>, vector<16xf32>)
        %parallel_loop3A_161 = arith.constant dense<true> : vector<16xi1>
        %parallel_loop3A_162, %parallel_loop3A_163, %parallel_loop3A_164 = tpu.sort %parallel_loop3A_113, %parallel_loop3A_113 masked %parallel_loop3A_161 : (vector<16xf32>, vector<16xf32>, vector<16xi1>) -> (vector<16xi1>, vector<16xf32>, vector<16xf32>)
        %parallel_loop3A_165 = arith.constant dense<true> : vector<16xi1>
        %parallel_loop3A_166, %parallel_loop3A_167, %parallel_loop3A_168 = tpu.sort %parallel_loop3A_116, %parallel_loop3A_116 masked %parallel_loop3A_165 {descending = true} : (vector<16xf32>, vector<16xf32>, vector<16xi1>) -> (vector<16xi1>, vector<16xf32>, vector<16xf32>)
        %parallel_loop3A_169 = arith.constant dense<true> : vector<16xi1>
        %parallel_loop3A_170, %parallel_loop3A_171, %parallel_loop3A_172 = tpu.sort %parallel_loop3A_119, %parallel_loop3A_119 masked %parallel_loop3A_169 : (vector<16xf32>, vector<16xf32>, vector<16xi1>) -> (vector<16xi1>, vector<16xf32>, vector<16xf32>)
        %parallel_loop3A_173 = arith.constant dense<true> : vector<16xi1>
        %parallel_loop3A_174, %parallel_loop3A_175, %parallel_loop3A_176 = tpu.sort %parallel_loop3A_122, %parallel_loop3A_122 masked %parallel_loop3A_173 {descending = true} : (vector<16xf32>, vector<16xf32>, vector<16xi1>) -> (vector<16xi1>, vector<16xf32>, vector<16xf32>)
        %parallel_loop3A_177 = arith.constant dense<true> : vector<16xi1>
        %parallel_loop3A_178, %parallel_loop3A_179, %parallel_loop3A_180 = tpu.sort %parallel_loop3A_125, %parallel_loop3A_125 masked %parallel_loop3A_177 : (vector<16xf32>, vector<16xf32>, vector<16xi1>) -> (vector<16xi1>, vector<16xf32>, vector<16xf32>)
        %parallel_loop3A_181 = arith.constant dense<true> : vector<16xi1>
        %parallel_loop3A_182, %parallel_loop3A_183, %parallel_loop3A_184 = tpu.sort %parallel_loop3A_128, %parallel_loop3A_128 masked %parallel_loop3A_181 {descending = true} : (vector<16xf32>, vector<16xf32>, vector<16xi1>) -> (vector<16xi1>, vector<16xf32>, vector<16xf32>)
        %parallel_loop3A_185 = arith.minimumf %parallel_loop3A_131, %parallel_loop3A_135 : vector<16xf32>
        %parallel_loop3A_186 = arith.maximumf %parallel_loop3A_131, %parallel_loop3A_135 : vector<16xf32>
        %parallel_loop3A_187 = arith.minimumf %parallel_loop3A_139, %parallel_loop3A_143 : vector<16xf32>
        %parallel_loop3A_188 = arith.maximumf %parallel_loop3A_139, %parallel_loop3A_143 : vector<16xf32>
        %parallel_loop3A_189 = arith.minimumf %parallel_loop3A_147, %parallel_loop3A_151 : vector<16xf32>
        %parallel_loop3A_190 = arith.maximumf %parallel_loop3A_147, %parallel_loop3A_151 : vector<16xf32>
        %parallel_loop3A_191 = arith.minimumf %parallel_loop3A_155, %parallel_loop3A_159 : vector<16xf32>
        %parallel_loop3A_192 = arith.maximumf %parallel_loop3A_155, %parallel_loop3A_159 : vector<16xf32>
        %parallel_loop3A_193 = arith.minimumf %parallel_loop3A_163, %parallel_loop3A_167 : vector<16xf32>
        %parallel_loop3A_194 = arith.maximumf %parallel_loop3A_163, %parallel_loop3A_167 : vector<16xf32>
        %parallel_loop3A_195 = arith.minimumf %parallel_loop3A_171, %parallel_loop3A_175 : vector<16xf32>
        %parallel_loop3A_196 = arith.maximumf %parallel_loop3A_171, %parallel_loop3A_175 : vector<16xf32>
        %parallel_loop3A_197 = arith.minimumf %parallel_loop3A_179, %parallel_loop3A_183 : vector<16xf32>
        %parallel_loop3A_198 = arith.maximumf %parallel_loop3A_179, %parallel_loop3A_183 : vector<16xf32>
        %parallel_loop3A_199 = arith.constant dense<true> : vector<16xi1>
        %parallel_loop3A_200, %parallel_loop3A_201, %parallel_loop3A_202 = tpu.sort %parallel_loop3A_185, %parallel_loop3A_185 masked %parallel_loop3A_199 : (vector<16xf32>, vector<16xf32>, vector<16xi1>) -> (vector<16xi1>, vector<16xf32>, vector<16xf32>)
        %parallel_loop3A_203 = arith.constant dense<true> : vector<16xi1>
        %parallel_loop3A_204, %parallel_loop3A_205, %parallel_loop3A_206 = tpu.sort %parallel_loop3A_186, %parallel_loop3A_186 masked %parallel_loop3A_203 : (vector<16xf32>, vector<16xf32>, vector<16xi1>) -> (vector<16xi1>, vector<16xf32>, vector<16xf32>)
        %parallel_loop3A_207 = arith.constant dense<true> : vector<16xi1>
        %parallel_loop3A_208, %parallel_loop3A_209, %parallel_loop3A_210 = tpu.sort %parallel_loop3A_188, %parallel_loop3A_188 masked %parallel_loop3A_207 {descending = true} : (vector<16xf32>, vector<16xf32>, vector<16xi1>) -> (vector<16xi1>, vector<16xf32>, vector<16xf32>)
        %parallel_loop3A_211 = arith.constant dense<true> : vector<16xi1>
        %parallel_loop3A_212, %parallel_loop3A_213, %parallel_loop3A_214 = tpu.sort %parallel_loop3A_187, %parallel_loop3A_187 masked %parallel_loop3A_211 {descending = true} : (vector<16xf32>, vector<16xf32>, vector<16xi1>) -> (vector<16xi1>, vector<16xf32>, vector<16xf32>)
        %parallel_loop3A_215 = arith.constant dense<true> : vector<16xi1>
        %parallel_loop3A_216, %parallel_loop3A_217, %parallel_loop3A_218 = tpu.sort %parallel_loop3A_189, %parallel_loop3A_189 masked %parallel_loop3A_215 : (vector<16xf32>, vector<16xf32>, vector<16xi1>) -> (vector<16xi1>, vector<16xf32>, vector<16xf32>)
        %parallel_loop3A_219 = arith.constant dense<true> : vector<16xi1>
        %parallel_loop3A_220, %parallel_loop3A_221, %parallel_loop3A_222 = tpu.sort %parallel_loop3A_190, %parallel_loop3A_190 masked %parallel_loop3A_219 : (vector<16xf32>, vector<16xf32>, vector<16xi1>) -> (vector<16xi1>, vector<16xf32>, vector<16xf32>)
        %parallel_loop3A_223 = arith.constant dense<true> : vector<16xi1>
        %parallel_loop3A_224, %parallel_loop3A_225, %parallel_loop3A_226 = tpu.sort %parallel_loop3A_192, %parallel_loop3A_192 masked %parallel_loop3A_223 {descending = true} : (vector<16xf32>, vector<16xf32>, vector<16xi1>) -> (vector<16xi1>, vector<16xf32>, vector<16xf32>)
        %parallel_loop3A_227 = arith.constant dense<true> : vector<16xi1>
        %parallel_loop3A_228, %parallel_loop3A_229, %parallel_loop3A_230 = tpu.sort %parallel_loop3A_191, %parallel_loop3A_191 masked %parallel_loop3A_227 {descending = true} : (vector<16xf32>, vector<16xf32>, vector<16xi1>) -> (vector<16xi1>, vector<16xf32>, vector<16xf32>)
        %parallel_loop3A_231 = arith.constant dense<true> : vector<16xi1>
        %parallel_loop3A_232, %parallel_loop3A_233, %parallel_loop3A_234 = tpu.sort %parallel_loop3A_193, %parallel_loop3A_193 masked %parallel_loop3A_231 : (vector<16xf32>, vector<16xf32>, vector<16xi1>) -> (vector<16xi1>, vector<16xf32>, vector<16xf32>)
        %parallel_loop3A_235 = arith.constant dense<true> : vector<16xi1>
        %parallel_loop3A_236, %parallel_loop3A_237, %parallel_loop3A_238 = tpu.sort %parallel_loop3A_194, %parallel_loop3A_194 masked %parallel_loop3A_235 : (vector<16xf32>, vector<16xf32>, vector<16xi1>) -> (vector<16xi1>, vector<16xf32>, vector<16xf32>)
        %parallel_loop3A_239 = arith.constant dense<true> : vector<16xi1>
        %parallel_loop3A_240, %parallel_loop3A_241, %parallel_loop3A_242 = tpu.sort %parallel_loop3A_196, %parallel_loop3A_196 masked %parallel_loop3A_239 {descending = true} : (vector<16xf32>, vector<16xf32>, vector<16xi1>) -> (vector<16xi1>, vector<16xf32>, vector<16xf32>)
        %parallel_loop3A_243 = arith.constant dense<true> : vector<16xi1>
        %parallel_loop3A_244, %parallel_loop3A_245, %parallel_loop3A_246 = tpu.sort %parallel_loop3A_195, %parallel_loop3A_195 masked %parallel_loop3A_243 {descending = true} : (vector<16xf32>, vector<16xf32>, vector<16xi1>) -> (vector<16xi1>, vector<16xf32>, vector<16xf32>)
        %parallel_loop3A_247 = arith.constant dense<true> : vector<16xi1>
        %parallel_loop3A_248, %parallel_loop3A_249, %parallel_loop3A_250 = tpu.sort %parallel_loop3A_197, %parallel_loop3A_197 masked %parallel_loop3A_247 : (vector<16xf32>, vector<16xf32>, vector<16xi1>) -> (vector<16xi1>, vector<16xf32>, vector<16xf32>)
        %parallel_loop3A_251 = arith.constant dense<true> : vector<16xi1>
        %parallel_loop3A_252, %parallel_loop3A_253, %parallel_loop3A_254 = tpu.sort %parallel_loop3A_198, %parallel_loop3A_198 masked %parallel_loop3A_251 : (vector<16xf32>, vector<16xf32>, vector<16xi1>) -> (vector<16xi1>, vector<16xf32>, vector<16xf32>)
        %parallel_loop3A_255 = arith.minimumf %parallel_loop3A_201, %parallel_loop3A_209 : vector<16xf32>
        %parallel_loop3A_256 = arith.maximumf %parallel_loop3A_201, %parallel_loop3A_209 : vector<16xf32>
        %parallel_loop3A_257 = arith.minimumf %parallel_loop3A_205, %parallel_loop3A_213 : vector<16xf32>
        %parallel_loop3A_258 = arith.maximumf %parallel_loop3A_205, %parallel_loop3A_213 : vector<16xf32>
        %parallel_loop3A_259 = arith.minimumf %parallel_loop3A_217, %parallel_loop3A_225 : vector<16xf32>
        %parallel_loop3A_260 = arith.maximumf %parallel_loop3A_217, %parallel_loop3A_225 : vector<16xf32>
        %parallel_loop3A_261 = arith.minimumf %parallel_loop3A_221, %parallel_loop3A_229 : vector<16xf32>
        %parallel_loop3A_262 = arith.maximumf %parallel_loop3A_221, %parallel_loop3A_229 : vector<16xf32>
        %parallel_loop3A_263 = arith.minimumf %parallel_loop3A_233, %parallel_loop3A_241 : vector<16xf32>
        %parallel_loop3A_264 = arith.maximumf %parallel_loop3A_233, %parallel_loop3A_241 : vector<16xf32>
        %parallel_loop3A_265 = arith.minimumf %parallel_loop3A_237, %parallel_loop3A_245 : vector<16xf32>
        %parallel_loop3A_266 = arith.maximumf %parallel_loop3A_237, %parallel_loop3A_245 : vector<16xf32>
        %parallel_loop3A_267 = arith.minimumf %parallel_loop3A_255, %parallel_loop3A_257 : vector<16xf32>
        %parallel_loop3A_268 = arith.maximumf %parallel_loop3A_255, %parallel_loop3A_257 : vector<16xf32>
        %parallel_loop3A_269 = arith.minimumf %parallel_loop3A_256, %parallel_loop3A_258 : vector<16xf32>
        %parallel_loop3A_270 = arith.maximumf %parallel_loop3A_256, %parallel_loop3A_258 : vector<16xf32>
        %parallel_loop3A_271 = arith.minimumf %parallel_loop3A_260, %parallel_loop3A_262 : vector<16xf32>
        %parallel_loop3A_272 = arith.maximumf %parallel_loop3A_260, %parallel_loop3A_262 : vector<16xf32>
        %parallel_loop3A_273 = arith.minimumf %parallel_loop3A_259, %parallel_loop3A_261 : vector<16xf32>
        %parallel_loop3A_274 = arith.maximumf %parallel_loop3A_259, %parallel_loop3A_261 : vector<16xf32>
        %parallel_loop3A_275 = arith.minimumf %parallel_loop3A_263, %parallel_loop3A_265 : vector<16xf32>
        %parallel_loop3A_276 = arith.maximumf %parallel_loop3A_263, %parallel_loop3A_265 : vector<16xf32>
        %parallel_loop3A_277 = arith.minimumf %parallel_loop3A_264, %parallel_loop3A_266 : vector<16xf32>
        %parallel_loop3A_278 = arith.maximumf %parallel_loop3A_264, %parallel_loop3A_266 : vector<16xf32>
        %parallel_loop3A_279 = arith.minimumf %parallel_loop3A_249, %parallel_loop3A_253 : vector<16xf32>
        %parallel_loop3A_280 = arith.maximumf %parallel_loop3A_249, %parallel_loop3A_253 : vector<16xf32>
        %parallel_loop3A_281 = arith.constant dense<true> : vector<16xi1>
        %parallel_loop3A_282, %parallel_loop3A_283, %parallel_loop3A_284 = tpu.sort %parallel_loop3A_267, %parallel_loop3A_267 masked %parallel_loop3A_281 : (vector<16xf32>, vector<16xf32>, vector<16xi1>) -> (vector<16xi1>, vector<16xf32>, vector<16xf32>)
        %parallel_loop3A_285 = arith.constant dense<true> : vector<16xi1>
        %parallel_loop3A_286, %parallel_loop3A_287, %parallel_loop3A_288 = tpu.sort %parallel_loop3A_268, %parallel_loop3A_268 masked %parallel_loop3A_285 : (vector<16xf32>, vector<16xf32>, vector<16xi1>) -> (vector<16xi1>, vector<16xf32>, vector<16xf32>)
        %parallel_loop3A_289 = arith.constant dense<true> : vector<16xi1>
        %parallel_loop3A_290, %parallel_loop3A_291, %parallel_loop3A_292 = tpu.sort %parallel_loop3A_269, %parallel_loop3A_269 masked %parallel_loop3A_289 : (vector<16xf32>, vector<16xf32>, vector<16xi1>) -> (vector<16xi1>, vector<16xf32>, vector<16xf32>)
        %parallel_loop3A_293 = arith.constant dense<true> : vector<16xi1>
        %parallel_loop3A_294, %parallel_loop3A_295, %parallel_loop3A_296 = tpu.sort %parallel_loop3A_270, %parallel_loop3A_270 masked %parallel_loop3A_293 : (vector<16xf32>, vector<16xf32>, vector<16xi1>) -> (vector<16xi1>, vector<16xf32>, vector<16xf32>)
        %parallel_loop3A_297 = arith.constant dense<true> : vector<16xi1>
        %parallel_loop3A_298, %parallel_loop3A_299, %parallel_loop3A_300 = tpu.sort %parallel_loop3A_272, %parallel_loop3A_272 masked %parallel_loop3A_297 {descending = true} : (vector<16xf32>, vector<16xf32>, vector<16xi1>) -> (vector<16xi1>, vector<16xf32>, vector<16xf32>)
        %parallel_loop3A_301 = arith.constant dense<true> : vector<16xi1>
        %parallel_loop3A_302, %parallel_loop3A_303, %parallel_loop3A_304 = tpu.sort %parallel_loop3A_271, %parallel_loop3A_271 masked %parallel_loop3A_301 {descending = true} : (vector<16xf32>, vector<16xf32>, vector<16xi1>) -> (vector<16xi1>, vector<16xf32>, vector<16xf32>)
        %parallel_loop3A_305 = arith.constant dense<true> : vector<16xi1>
        %parallel_loop3A_306, %parallel_loop3A_307, %parallel_loop3A_308 = tpu.sort %parallel_loop3A_274, %parallel_loop3A_274 masked %parallel_loop3A_305 {descending = true} : (vector<16xf32>, vector<16xf32>, vector<16xi1>) -> (vector<16xi1>, vector<16xf32>, vector<16xf32>)
        %parallel_loop3A_309 = arith.constant dense<true> : vector<16xi1>
        %parallel_loop3A_310, %parallel_loop3A_311, %parallel_loop3A_312 = tpu.sort %parallel_loop3A_273, %parallel_loop3A_273 masked %parallel_loop3A_309 {descending = true} : (vector<16xf32>, vector<16xf32>, vector<16xi1>) -> (vector<16xi1>, vector<16xf32>, vector<16xf32>)
        %parallel_loop3A_313 = arith.constant dense<true> : vector<16xi1>
        %parallel_loop3A_314, %parallel_loop3A_315, %parallel_loop3A_316 = tpu.sort %parallel_loop3A_275, %parallel_loop3A_275 masked %parallel_loop3A_313 : (vector<16xf32>, vector<16xf32>, vector<16xi1>) -> (vector<16xi1>, vector<16xf32>, vector<16xf32>)
        %parallel_loop3A_317 = arith.constant dense<true> : vector<16xi1>
        %parallel_loop3A_318, %parallel_loop3A_319, %parallel_loop3A_320 = tpu.sort %parallel_loop3A_276, %parallel_loop3A_276 masked %parallel_loop3A_317 : (vector<16xf32>, vector<16xf32>, vector<16xi1>) -> (vector<16xi1>, vector<16xf32>, vector<16xf32>)
        %parallel_loop3A_321 = arith.constant dense<true> : vector<16xi1>
        %parallel_loop3A_322, %parallel_loop3A_323, %parallel_loop3A_324 = tpu.sort %parallel_loop3A_277, %parallel_loop3A_277 masked %parallel_loop3A_321 : (vector<16xf32>, vector<16xf32>, vector<16xi1>) -> (vector<16xi1>, vector<16xf32>, vector<16xf32>)
        %parallel_loop3A_325 = arith.constant dense<true> : vector<16xi1>
        %parallel_loop3A_326, %parallel_loop3A_327, %parallel_loop3A_328 = tpu.sort %parallel_loop3A_278, %parallel_loop3A_278 masked %parallel_loop3A_325 : (vector<16xf32>, vector<16xf32>, vector<16xi1>) -> (vector<16xi1>, vector<16xf32>, vector<16xf32>)
        %parallel_loop3A_329 = arith.constant dense<true> : vector<16xi1>
        %parallel_loop3A_330, %parallel_loop3A_331, %parallel_loop3A_332 = tpu.sort %parallel_loop3A_280, %parallel_loop3A_280 masked %parallel_loop3A_329 {descending = true} : (vector<16xf32>, vector<16xf32>, vector<16xi1>) -> (vector<16xi1>, vector<16xf32>, vector<16xf32>)
        %parallel_loop3A_333 = arith.constant dense<true> : vector<16xi1>
        %parallel_loop3A_334, %parallel_loop3A_335, %parallel_loop3A_336 = tpu.sort %parallel_loop3A_279, %parallel_loop3A_279 masked %parallel_loop3A_333 {descending = true} : (vector<16xf32>, vector<16xf32>, vector<16xi1>) -> (vector<16xi1>, vector<16xf32>, vector<16xf32>)
        %parallel_loop3A_337 = arith.minimumf %parallel_loop3A_283, %parallel_loop3A_299 : vector<16xf32>
        %parallel_loop3A_338 = arith.maximumf %parallel_loop3A_283, %parallel_loop3A_299 : vector<16xf32>
        %parallel_loop3A_339 = arith.minimumf %parallel_loop3A_287, %parallel_loop3A_303 : vector<16xf32>
        %parallel_loop3A_340 = arith.maximumf %parallel_loop3A_287, %parallel_loop3A_303 : vector<16xf32>
        %parallel_loop3A_341 = arith.minimumf %parallel_loop3A_291, %parallel_loop3A_307 : vector<16xf32>
        %parallel_loop3A_342 = arith.maximumf %parallel_loop3A_291, %parallel_loop3A_307 : vector<16xf32>
        %parallel_loop3A_343 = arith.minimumf %parallel_loop3A_295, %parallel_loop3A_311 : vector<16xf32>
        %parallel_loop3A_344 = arith.maximumf %parallel_loop3A_295, %parallel_loop3A_311 : vector<16xf32>
        %parallel_loop3A_345 = arith.minimumf %parallel_loop3A_323, %parallel_loop3A_331 : vector<16xf32>
        %parallel_loop3A_346 = arith.maximumf %parallel_loop3A_323, %parallel_loop3A_331 : vector<16xf32>
        %parallel_loop3A_347 = arith.minimumf %parallel_loop3A_327, %parallel_loop3A_335 : vector<16xf32>
        %parallel_loop3A_348 = arith.maximumf %parallel_loop3A_327, %parallel_loop3A_335 : vector<16xf32>
        %parallel_loop3A_349 = arith.minimumf %parallel_loop3A_337, %parallel_loop3A_341 : vector<16xf32>
        %parallel_loop3A_350 = arith.maximumf %parallel_loop3A_337, %parallel_loop3A_341 : vector<16xf32>
        %parallel_loop3A_351 = arith.minimumf %parallel_loop3A_339, %parallel_loop3A_343 : vector<16xf32>
        %parallel_loop3A_352 = arith.maximumf %parallel_loop3A_339, %parallel_loop3A_343 : vector<16xf32>
        %parallel_loop3A_353 = arith.minimumf %parallel_loop3A_338, %parallel_loop3A_342 : vector<16xf32>
        %parallel_loop3A_354 = arith.maximumf %parallel_loop3A_338, %parallel_loop3A_342 : vector<16xf32>
        %parallel_loop3A_355 = arith.minimumf %parallel_loop3A_340, %parallel_loop3A_344 : vector<16xf32>
        %parallel_loop3A_356 = arith.maximumf %parallel_loop3A_340, %parallel_loop3A_344 : vector<16xf32>
        %parallel_loop3A_357 = arith.minimumf %parallel_loop3A_315, %parallel_loop3A_345 : vector<16xf32>
        %parallel_loop3A_358 = arith.maximumf %parallel_loop3A_315, %parallel_loop3A_345 : vector<16xf32>
        %parallel_loop3A_359 = arith.minimumf %parallel_loop3A_319, %parallel_loop3A_347 : vector<16xf32>
        %parallel_loop3A_360 = arith.maximumf %parallel_loop3A_319, %parallel_loop3A_347 : vector<16xf32>
        %parallel_loop3A_361 = arith.minimumf %parallel_loop3A_349, %parallel_loop3A_351 : vector<16xf32>
        %parallel_loop3A_362 = arith.maximumf %parallel_loop3A_349, %parallel_loop3A_351 : vector<16xf32>
        %parallel_loop3A_363 = arith.minimumf %parallel_loop3A_350, %parallel_loop3A_352 : vector<16xf32>
        %parallel_loop3A_364 = arith.maximumf %parallel_loop3A_350, %parallel_loop3A_352 : vector<16xf32>
        %parallel_loop3A_365 = arith.minimumf %parallel_loop3A_353, %parallel_loop3A_355 : vector<16xf32>
        %parallel_loop3A_366 = arith.maximumf %parallel_loop3A_353, %parallel_loop3A_355 : vector<16xf32>
        %parallel_loop3A_367 = arith.minimumf %parallel_loop3A_354, %parallel_loop3A_356 : vector<16xf32>
        %parallel_loop3A_368 = arith.maximumf %parallel_loop3A_354, %parallel_loop3A_356 : vector<16xf32>
        %parallel_loop3A_369 = arith.minimumf %parallel_loop3A_346, %parallel_loop3A_348 : vector<16xf32>
        %parallel_loop3A_370 = arith.maximumf %parallel_loop3A_346, %parallel_loop3A_348 : vector<16xf32>
        %parallel_loop3A_371 = arith.minimumf %parallel_loop3A_358, %parallel_loop3A_360 : vector<16xf32>
        %parallel_loop3A_372 = arith.maximumf %parallel_loop3A_358, %parallel_loop3A_360 : vector<16xf32>
        %parallel_loop3A_373 = arith.minimumf %parallel_loop3A_357, %parallel_loop3A_359 : vector<16xf32>
        %parallel_loop3A_374 = arith.maximumf %parallel_loop3A_357, %parallel_loop3A_359 : vector<16xf32>
        %parallel_loop3A_375 = arith.constant dense<true> : vector<16xi1>
        %parallel_loop3A_376, %parallel_loop3A_377, %parallel_loop3A_378 = tpu.sort %parallel_loop3A_361, %parallel_loop3A_361 masked %parallel_loop3A_375 : (vector<16xf32>, vector<16xf32>, vector<16xi1>) -> (vector<16xi1>, vector<16xf32>, vector<16xf32>)
        %parallel_loop3A_379 = arith.constant dense<true> : vector<16xi1>
        %parallel_loop3A_380, %parallel_loop3A_381, %parallel_loop3A_382 = tpu.sort %parallel_loop3A_362, %parallel_loop3A_362 masked %parallel_loop3A_379 : (vector<16xf32>, vector<16xf32>, vector<16xi1>) -> (vector<16xi1>, vector<16xf32>, vector<16xf32>)
        %parallel_loop3A_383 = arith.constant dense<true> : vector<16xi1>
        %parallel_loop3A_384, %parallel_loop3A_385, %parallel_loop3A_386 = tpu.sort %parallel_loop3A_363, %parallel_loop3A_363 masked %parallel_loop3A_383 : (vector<16xf32>, vector<16xf32>, vector<16xi1>) -> (vector<16xi1>, vector<16xf32>, vector<16xf32>)
        %parallel_loop3A_387 = arith.constant dense<true> : vector<16xi1>
        %parallel_loop3A_388, %parallel_loop3A_389, %parallel_loop3A_390 = tpu.sort %parallel_loop3A_364, %parallel_loop3A_364 masked %parallel_loop3A_387 : (vector<16xf32>, vector<16xf32>, vector<16xi1>) -> (vector<16xi1>, vector<16xf32>, vector<16xf32>)
        %parallel_loop3A_391 = arith.constant dense<true> : vector<16xi1>
        %parallel_loop3A_392, %parallel_loop3A_393, %parallel_loop3A_394 = tpu.sort %parallel_loop3A_365, %parallel_loop3A_365 masked %parallel_loop3A_391 : (vector<16xf32>, vector<16xf32>, vector<16xi1>) -> (vector<16xi1>, vector<16xf32>, vector<16xf32>)
        %parallel_loop3A_395 = arith.constant dense<true> : vector<16xi1>
        %parallel_loop3A_396, %parallel_loop3A_397, %parallel_loop3A_398 = tpu.sort %parallel_loop3A_366, %parallel_loop3A_366 masked %parallel_loop3A_395 : (vector<16xf32>, vector<16xf32>, vector<16xi1>) -> (vector<16xi1>, vector<16xf32>, vector<16xf32>)
        %parallel_loop3A_399 = arith.constant dense<true> : vector<16xi1>
        %parallel_loop3A_400, %parallel_loop3A_401, %parallel_loop3A_402 = tpu.sort %parallel_loop3A_367, %parallel_loop3A_367 masked %parallel_loop3A_399 : (vector<16xf32>, vector<16xf32>, vector<16xi1>) -> (vector<16xi1>, vector<16xf32>, vector<16xf32>)
        %parallel_loop3A_403 = arith.constant dense<true> : vector<16xi1>
        %parallel_loop3A_404, %parallel_loop3A_405, %parallel_loop3A_406 = tpu.sort %parallel_loop3A_368, %parallel_loop3A_368 masked %parallel_loop3A_403 : (vector<16xf32>, vector<16xf32>, vector<16xi1>) -> (vector<16xi1>, vector<16xf32>, vector<16xf32>)
        %parallel_loop3A_407 = arith.constant dense<true> : vector<16xi1>
        %parallel_loop3A_408, %parallel_loop3A_409, %parallel_loop3A_410 = tpu.sort %parallel_loop3A_370, %parallel_loop3A_370 masked %parallel_loop3A_407 {descending = true} : (vector<16xf32>, vector<16xf32>, vector<16xi1>) -> (vector<16xi1>, vector<16xf32>, vector<16xf32>)
        %parallel_loop3A_411 = arith.constant dense<true> : vector<16xi1>
        %parallel_loop3A_412, %parallel_loop3A_413, %parallel_loop3A_414 = tpu.sort %parallel_loop3A_369, %parallel_loop3A_369 masked %parallel_loop3A_411 {descending = true} : (vector<16xf32>, vector<16xf32>, vector<16xi1>) -> (vector<16xi1>, vector<16xf32>, vector<16xf32>)
        %parallel_loop3A_415 = arith.constant dense<true> : vector<16xi1>
        %parallel_loop3A_416, %parallel_loop3A_417, %parallel_loop3A_418 = tpu.sort %parallel_loop3A_372, %parallel_loop3A_372 masked %parallel_loop3A_415 {descending = true} : (vector<16xf32>, vector<16xf32>, vector<16xi1>) -> (vector<16xi1>, vector<16xf32>, vector<16xf32>)
        %parallel_loop3A_419 = arith.constant dense<true> : vector<16xi1>
        %parallel_loop3A_420, %parallel_loop3A_421, %parallel_loop3A_422 = tpu.sort %parallel_loop3A_371, %parallel_loop3A_371 masked %parallel_loop3A_419 {descending = true} : (vector<16xf32>, vector<16xf32>, vector<16xi1>) -> (vector<16xi1>, vector<16xf32>, vector<16xf32>)
        %parallel_loop3A_423 = arith.constant dense<true> : vector<16xi1>
        %parallel_loop3A_424, %parallel_loop3A_425, %parallel_loop3A_426 = tpu.sort %parallel_loop3A_374, %parallel_loop3A_374 masked %parallel_loop3A_423 {descending = true} : (vector<16xf32>, vector<16xf32>, vector<16xi1>) -> (vector<16xi1>, vector<16xf32>, vector<16xf32>)
        %parallel_loop3A_427 = arith.constant dense<true> : vector<16xi1>
        %parallel_loop3A_428, %parallel_loop3A_429, %parallel_loop3A_430 = tpu.sort %parallel_loop3A_373, %parallel_loop3A_373 masked %parallel_loop3A_427 {descending = true} : (vector<16xf32>, vector<16xf32>, vector<16xi1>) -> (vector<16xi1>, vector<16xf32>, vector<16xf32>)
        %parallel_loop3A_431 = arith.minimumf %parallel_loop3A_385, %parallel_loop3A_409 : vector<16xf32>
        %parallel_loop3A_432 = arith.maximumf %parallel_loop3A_385, %parallel_loop3A_409 : vector<16xf32>
        %parallel_loop3A_433 = arith.minimumf %parallel_loop3A_389, %parallel_loop3A_413 : vector<16xf32>
        %parallel_loop3A_434 = arith.maximumf %parallel_loop3A_389, %parallel_loop3A_413 : vector<16xf32>
        %parallel_loop3A_435 = arith.minimumf %parallel_loop3A_393, %parallel_loop3A_417 : vector<16xf32>
        %parallel_loop3A_436 = arith.maximumf %parallel_loop3A_393, %parallel_loop3A_417 : vector<16xf32>
        %parallel_loop3A_437 = arith.minimumf %parallel_loop3A_397, %parallel_loop3A_421 : vector<16xf32>
        %parallel_loop3A_438 = arith.maximumf %parallel_loop3A_397, %parallel_loop3A_421 : vector<16xf32>
        %parallel_loop3A_439 = arith.minimumf %parallel_loop3A_401, %parallel_loop3A_425 : vector<16xf32>
        %parallel_loop3A_440 = arith.maximumf %parallel_loop3A_401, %parallel_loop3A_425 : vector<16xf32>
        %parallel_loop3A_441 = arith.minimumf %parallel_loop3A_405, %parallel_loop3A_429 : vector<16xf32>
        %parallel_loop3A_442 = arith.maximumf %parallel_loop3A_405, %parallel_loop3A_429 : vector<16xf32>
        %parallel_loop3A_443 = arith.minimumf %parallel_loop3A_377, %parallel_loop3A_435 : vector<16xf32>
        %parallel_loop3A_444 = arith.maximumf %parallel_loop3A_377, %parallel_loop3A_435 : vector<16xf32>
        %parallel_loop3A_445 = arith.minimumf %parallel_loop3A_381, %parallel_loop3A_437 : vector<16xf32>
        %parallel_loop3A_446 = arith.maximumf %parallel_loop3A_381, %parallel_loop3A_437 : vector<16xf32>
        %parallel_loop3A_447 = arith.minimumf %parallel_loop3A_431, %parallel_loop3A_439 : vector<16xf32>
        %parallel_loop3A_448 = arith.maximumf %parallel_loop3A_431, %parallel_loop3A_439 : vector<16xf32>
        %parallel_loop3A_449 = arith.minimumf %parallel_loop3A_433, %parallel_loop3A_441 : vector<16xf32>
        %parallel_loop3A_450 = arith.maximumf %parallel_loop3A_433, %parallel_loop3A_441 : vector<16xf32>
        %parallel_loop3A_451 = arith.minimumf %parallel_loop3A_432, %parallel_loop3A_440 : vector<16xf32>
        %parallel_loop3A_452 = arith.maximumf %parallel_loop3A_432, %parallel_loop3A_440 : vector<16xf32>
        %parallel_loop3A_453 = arith.minimumf %parallel_loop3A_434, %parallel_loop3A_442 : vector<16xf32>
        %parallel_loop3A_454 = arith.maximumf %parallel_loop3A_434, %parallel_loop3A_442 : vector<16xf32>
        %parallel_loop3A_455 = arith.minimumf %parallel_loop3A_443, %parallel_loop3A_447 : vector<16xf32>
        %parallel_loop3A_456 = arith.maximumf %parallel_loop3A_443, %parallel_loop3A_447 : vector<16xf32>
        %parallel_loop3A_457 = arith.minimumf %parallel_loop3A_445, %parallel_loop3A_449 : vector<16xf32>
        %parallel_loop3A_458 = arith.maximumf %parallel_loop3A_445, %parallel_loop3A_449 : vector<16xf32>
        %parallel_loop3A_459 = arith.minimumf %parallel_loop3A_444, %parallel_loop3A_448 : vector<16xf32>
        %parallel_loop3A_460 = arith.maximumf %parallel_loop3A_444, %parallel_loop3A_448 : vector<16xf32>
        %parallel_loop3A_461 = arith.minimumf %parallel_loop3A_446, %parallel_loop3A_450 : vector<16xf32>
        %parallel_loop3A_462 = arith.maximumf %parallel_loop3A_446, %parallel_loop3A_450 : vector<16xf32>
        %parallel_loop3A_463 = arith.minimumf %parallel_loop3A_436, %parallel_loop3A_451 : vector<16xf32>
        %parallel_loop3A_464 = arith.maximumf %parallel_loop3A_436, %parallel_loop3A_451 : vector<16xf32>
        %parallel_loop3A_465 = arith.minimumf %parallel_loop3A_438, %parallel_loop3A_453 : vector<16xf32>
        %parallel_loop3A_466 = arith.maximumf %parallel_loop3A_438, %parallel_loop3A_453 : vector<16xf32>
        %parallel_loop3A_467 = arith.minimumf %parallel_loop3A_455, %parallel_loop3A_457 : vector<16xf32>
        %parallel_loop3A_468 = arith.maximumf %parallel_loop3A_455, %parallel_loop3A_457 : vector<16xf32>
        %parallel_loop3A_469 = arith.minimumf %parallel_loop3A_456, %parallel_loop3A_458 : vector<16xf32>
        %parallel_loop3A_470 = arith.maximumf %parallel_loop3A_456, %parallel_loop3A_458 : vector<16xf32>
        %parallel_loop3A_471 = arith.minimumf %parallel_loop3A_459, %parallel_loop3A_461 : vector<16xf32>
        %parallel_loop3A_472 = arith.maximumf %parallel_loop3A_459, %parallel_loop3A_461 : vector<16xf32>
        %parallel_loop3A_473 = arith.minimumf %parallel_loop3A_460, %parallel_loop3A_462 : vector<16xf32>
        %parallel_loop3A_474 = arith.maximumf %parallel_loop3A_460, %parallel_loop3A_462 : vector<16xf32>
        %parallel_loop3A_475 = arith.minimumf %parallel_loop3A_463, %parallel_loop3A_465 : vector<16xf32>
        %parallel_loop3A_476 = arith.maximumf %parallel_loop3A_463, %parallel_loop3A_465 : vector<16xf32>
        %parallel_loop3A_477 = arith.minimumf %parallel_loop3A_464, %parallel_loop3A_466 : vector<16xf32>
        %parallel_loop3A_478 = arith.maximumf %parallel_loop3A_464, %parallel_loop3A_466 : vector<16xf32>
        %parallel_loop3A_479 = arith.minimumf %parallel_loop3A_452, %parallel_loop3A_454 : vector<16xf32>
        %parallel_loop3A_480 = arith.maximumf %parallel_loop3A_452, %parallel_loop3A_454 : vector<16xf32>
        %parallel_loop3A_481 = arith.constant dense<true> : vector<16xi1>
        %parallel_loop3A_482, %parallel_loop3A_483, %parallel_loop3A_484 = tpu.sort %parallel_loop3A_467, %parallel_loop3A_467 masked %parallel_loop3A_481 : (vector<16xf32>, vector<16xf32>, vector<16xi1>) -> (vector<16xi1>, vector<16xf32>, vector<16xf32>)
        %parallel_loop3A_485 = arith.constant dense<true> : vector<16xi1>
        %parallel_loop3A_486, %parallel_loop3A_487, %parallel_loop3A_488 = tpu.sort %parallel_loop3A_468, %parallel_loop3A_468 masked %parallel_loop3A_485 : (vector<16xf32>, vector<16xf32>, vector<16xi1>) -> (vector<16xi1>, vector<16xf32>, vector<16xf32>)
        %parallel_loop3A_489 = arith.constant dense<true> : vector<16xi1>
        %parallel_loop3A_490, %parallel_loop3A_491, %parallel_loop3A_492 = tpu.sort %parallel_loop3A_469, %parallel_loop3A_469 masked %parallel_loop3A_489 : (vector<16xf32>, vector<16xf32>, vector<16xi1>) -> (vector<16xi1>, vector<16xf32>, vector<16xf32>)
        %parallel_loop3A_493 = arith.constant dense<true> : vector<16xi1>
        %parallel_loop3A_494, %parallel_loop3A_495, %parallel_loop3A_496 = tpu.sort %parallel_loop3A_470, %parallel_loop3A_470 masked %parallel_loop3A_493 : (vector<16xf32>, vector<16xf32>, vector<16xi1>) -> (vector<16xi1>, vector<16xf32>, vector<16xf32>)
        %parallel_loop3A_497 = arith.constant dense<true> : vector<16xi1>
        %parallel_loop3A_498, %parallel_loop3A_499, %parallel_loop3A_500 = tpu.sort %parallel_loop3A_471, %parallel_loop3A_471 masked %parallel_loop3A_497 : (vector<16xf32>, vector<16xf32>, vector<16xi1>) -> (vector<16xi1>, vector<16xf32>, vector<16xf32>)
        %parallel_loop3A_501 = arith.constant dense<true> : vector<16xi1>
        %parallel_loop3A_502, %parallel_loop3A_503, %parallel_loop3A_504 = tpu.sort %parallel_loop3A_472, %parallel_loop3A_472 masked %parallel_loop3A_501 : (vector<16xf32>, vector<16xf32>, vector<16xi1>) -> (vector<16xi1>, vector<16xf32>, vector<16xf32>)
        %parallel_loop3A_505 = arith.constant dense<true> : vector<16xi1>
        %parallel_loop3A_506, %parallel_loop3A_507, %parallel_loop3A_508 = tpu.sort %parallel_loop3A_473, %parallel_loop3A_473 masked %parallel_loop3A_505 : (vector<16xf32>, vector<16xf32>, vector<16xi1>) -> (vector<16xi1>, vector<16xf32>, vector<16xf32>)
        %parallel_loop3A_509 = arith.constant dense<true> : vector<16xi1>
        %parallel_loop3A_510, %parallel_loop3A_511, %parallel_loop3A_512 = tpu.sort %parallel_loop3A_474, %parallel_loop3A_474 masked %parallel_loop3A_509 : (vector<16xf32>, vector<16xf32>, vector<16xi1>) -> (vector<16xi1>, vector<16xf32>, vector<16xf32>)
        %parallel_loop3A_513 = arith.constant dense<true> : vector<16xi1>
        %parallel_loop3A_514, %parallel_loop3A_515, %parallel_loop3A_516 = tpu.sort %parallel_loop3A_475, %parallel_loop3A_475 masked %parallel_loop3A_513 : (vector<16xf32>, vector<16xf32>, vector<16xi1>) -> (vector<16xi1>, vector<16xf32>, vector<16xf32>)
        %parallel_loop3A_517 = arith.constant dense<true> : vector<16xi1>
        %parallel_loop3A_518, %parallel_loop3A_519, %parallel_loop3A_520 = tpu.sort %parallel_loop3A_476, %parallel_loop3A_476 masked %parallel_loop3A_517 : (vector<16xf32>, vector<16xf32>, vector<16xi1>) -> (vector<16xi1>, vector<16xf32>, vector<16xf32>)
        %parallel_loop3A_521 = arith.constant dense<true> : vector<16xi1>
        %parallel_loop3A_522, %parallel_loop3A_523, %parallel_loop3A_524 = tpu.sort %parallel_loop3A_477, %parallel_loop3A_477 masked %parallel_loop3A_521 : (vector<16xf32>, vector<16xf32>, vector<16xi1>) -> (vector<16xi1>, vector<16xf32>, vector<16xf32>)
        %parallel_loop3A_525 = arith.constant dense<true> : vector<16xi1>
        %parallel_loop3A_526, %parallel_loop3A_527, %parallel_loop3A_528 = tpu.sort %parallel_loop3A_478, %parallel_loop3A_478 masked %parallel_loop3A_525 : (vector<16xf32>, vector<16xf32>, vector<16xi1>) -> (vector<16xi1>, vector<16xf32>, vector<16xf32>)
        %parallel_loop3A_529 = arith.constant dense<true> : vector<16xi1>
        %parallel_loop3A_530, %parallel_loop3A_531, %parallel_loop3A_532 = tpu.sort %parallel_loop3A_479, %parallel_loop3A_479 masked %parallel_loop3A_529 : (vector<16xf32>, vector<16xf32>, vector<16xi1>) -> (vector<16xi1>, vector<16xf32>, vector<16xf32>)
        %parallel_loop3A_533 = arith.constant dense<true> : vector<16xi1>
        %parallel_loop3A_534, %parallel_loop3A_535, %parallel_loop3A_536 = tpu.sort %parallel_loop3A_480, %parallel_loop3A_480 masked %parallel_loop3A_533 : (vector<16xf32>, vector<16xf32>, vector<16xi1>) -> (vector<16xi1>, vector<16xf32>, vector<16xf32>)
        %parallel_loop3A_537 = arith.index_cast %parallel_loop3A_86 : i32 to index
        %parallel_loop3A_538 = arith.constant 0 : index
        %parallel_loop3A_539 = tpu.vector_load %arg6[%parallel_loop3A_537, %parallel_loop3A_538] {strides = array<i32>} : memref<64x224xf32, #tpu.memory_space<vmem>>, vector<16xf32>,
        tpu.vector_store %arg6[%parallel_loop3A_537, %parallel_loop3A_538], %parallel_loop3A_483 {strides = array<i32>} : memref<64x224xf32, #tpu.memory_space<vmem>>, vector<16xf32>,
        %parallel_loop3A_540 = arith.index_cast %parallel_loop3A_86 : i32 to index
        %parallel_loop3A_541 = arith.constant 16 : index
        %parallel_loop3A_542 = tpu.vector_load %arg6[%parallel_loop3A_540, %parallel_loop3A_541] {strides = array<i32>} : memref<64x224xf32, #tpu.memory_space<vmem>>, vector<16xf32>,
        tpu.vector_store %arg6[%parallel_loop3A_540, %parallel_loop3A_541], %parallel_loop3A_487 {strides = array<i32>} : memref<64x224xf32, #tpu.memory_space<vmem>>, vector<16xf32>,
        %parallel_loop3A_543 = arith.index_cast %parallel_loop3A_86 : i32 to index
        %parallel_loop3A_544 = arith.constant 32 : index
        %parallel_loop3A_545 = tpu.vector_load %arg6[%parallel_loop3A_543, %parallel_loop3A_544] {strides = array<i32>} : memref<64x224xf32, #tpu.memory_space<vmem>>, vector<16xf32>,
        tpu.vector_store %arg6[%parallel_loop3A_543, %parallel_loop3A_544], %parallel_loop3A_491 {strides = array<i32>} : memref<64x224xf32, #tpu.memory_space<vmem>>, vector<16xf32>,
        %parallel_loop3A_546 = arith.index_cast %parallel_loop3A_86 : i32 to index
        %parallel_loop3A_547 = arith.constant 48 : index
        %parallel_loop3A_548 = tpu.vector_load %arg6[%parallel_loop3A_546, %parallel_loop3A_547] {strides = array<i32>} : memref<64x224xf32, #tpu.memory_space<vmem>>, vector<16xf32>,
        tpu.vector_store %arg6[%parallel_loop3A_546, %parallel_loop3A_547], %parallel_loop3A_495 {strides = array<i32>} : memref<64x224xf32, #tpu.memory_space<vmem>>, vector<16xf32>,
        %parallel_loop3A_549 = arith.index_cast %parallel_loop3A_86 : i32 to index
        %parallel_loop3A_550 = arith.constant 64 : index
        %parallel_loop3A_551 = tpu.vector_load %arg6[%parallel_loop3A_549, %parallel_loop3A_550] {strides = array<i32>} : memref<64x224xf32, #tpu.memory_space<vmem>>, vector<16xf32>,
        tpu.vector_store %arg6[%parallel_loop3A_549, %parallel_loop3A_550], %parallel_loop3A_499 {strides = array<i32>} : memref<64x224xf32, #tpu.memory_space<vmem>>, vector<16xf32>,
        %parallel_loop3A_552 = arith.index_cast %parallel_loop3A_86 : i32 to index
        %parallel_loop3A_553 = arith.constant 80 : index
        %parallel_loop3A_554 = tpu.vector_load %arg6[%parallel_loop3A_552, %parallel_loop3A_553] {strides = array<i32>} : memref<64x224xf32, #tpu.memory_space<vmem>>, vector<16xf32>,
        tpu.vector_store %arg6[%parallel_loop3A_552, %parallel_loop3A_553], %parallel_loop3A_503 {strides = array<i32>} : memref<64x224xf32, #tpu.memory_space<vmem>>, vector<16xf32>,
        %parallel_loop3A_555 = arith.index_cast %parallel_loop3A_86 : i32 to index
        %parallel_loop3A_556 = arith.constant 96 : index
        %parallel_loop3A_557 = tpu.vector_load %arg6[%parallel_loop3A_555, %parallel_loop3A_556] {strides = array<i32>} : memref<64x224xf32, #tpu.memory_space<vmem>>, vector<16xf32>,
        tpu.vector_store %arg6[%parallel_loop3A_555, %parallel_loop3A_556], %parallel_loop3A_507 {strides = array<i32>} : memref<64x224xf32, #tpu.memory_space<vmem>>, vector<16xf32>,
        %parallel_loop3A_558 = arith.index_cast %parallel_loop3A_86 : i32 to index
        %parallel_loop3A_559 = arith.constant 112 : index
        %parallel_loop3A_560 = tpu.vector_load %arg6[%parallel_loop3A_558, %parallel_loop3A_559] {strides = array<i32>} : memref<64x224xf32, #tpu.memory_space<vmem>>, vector<16xf32>,
        tpu.vector_store %arg6[%parallel_loop3A_558, %parallel_loop3A_559], %parallel_loop3A_511 {strides = array<i32>} : memref<64x224xf32, #tpu.memory_space<vmem>>, vector<16xf32>,
        %parallel_loop3A_561 = arith.index_cast %parallel_loop3A_86 : i32 to index
        %parallel_loop3A_562 = arith.constant 128 : index
        %parallel_loop3A_563 = tpu.vector_load %arg6[%parallel_loop3A_561, %parallel_loop3A_562] {strides = array<i32>} : memref<64x224xf32, #tpu.memory_space<vmem>>, vector<16xf32>,
        tpu.vector_store %arg6[%parallel_loop3A_561, %parallel_loop3A_562], %parallel_loop3A_515 {strides = array<i32>} : memref<64x224xf32, #tpu.memory_space<vmem>>, vector<16xf32>,
        %parallel_loop3A_564 = arith.index_cast %parallel_loop3A_86 : i32 to index
        %parallel_loop3A_565 = arith.constant 144 : index
        %parallel_loop3A_566 = tpu.vector_load %arg6[%parallel_loop3A_564, %parallel_loop3A_565] {strides = array<i32>} : memref<64x224xf32, #tpu.memory_space<vmem>>, vector<16xf32>,
        tpu.vector_store %arg6[%parallel_loop3A_564, %parallel_loop3A_565], %parallel_loop3A_519 {strides = array<i32>} : memref<64x224xf32, #tpu.memory_space<vmem>>, vector<16xf32>,
        %parallel_loop3A_567 = arith.index_cast %parallel_loop3A_86 : i32 to index
        %parallel_loop3A_568 = arith.constant 160 : index
        %parallel_loop3A_569 = tpu.vector_load %arg6[%parallel_loop3A_567, %parallel_loop3A_568] {strides = array<i32>} : memref<64x224xf32, #tpu.memory_space<vmem>>, vector<16xf32>,
        tpu.vector_store %arg6[%parallel_loop3A_567, %parallel_loop3A_568], %parallel_loop3A_523 {strides = array<i32>} : memref<64x224xf32, #tpu.memory_space<vmem>>, vector<16xf32>,
        %parallel_loop3A_570 = arith.index_cast %parallel_loop3A_86 : i32 to index
        %parallel_loop3A_571 = arith.constant 176 : index
        %parallel_loop3A_572 = tpu.vector_load %arg6[%parallel_loop3A_570, %parallel_loop3A_571] {strides = array<i32>} : memref<64x224xf32, #tpu.memory_space<vmem>>, vector<16xf32>,
        tpu.vector_store %arg6[%parallel_loop3A_570, %parallel_loop3A_571], %parallel_loop3A_527 {strides = array<i32>} : memref<64x224xf32, #tpu.memory_space<vmem>>, vector<16xf32>,
        %parallel_loop3A_573 = arith.index_cast %parallel_loop3A_86 : i32 to index
        %parallel_loop3A_574 = arith.constant 192 : index
        %parallel_loop3A_575 = tpu.vector_load %arg6[%parallel_loop3A_573, %parallel_loop3A_574] {strides = array<i32>} : memref<64x224xf32, #tpu.memory_space<vmem>>, vector<16xf32>,
        tpu.vector_store %arg6[%parallel_loop3A_573, %parallel_loop3A_574], %parallel_loop3A_531 {strides = array<i32>} : memref<64x224xf32, #tpu.memory_space<vmem>>, vector<16xf32>,
        %parallel_loop3A_576 = arith.index_cast %parallel_loop3A_86 : i32 to index
        %parallel_loop3A_577 = arith.constant 208 : index
        %parallel_loop3A_578 = tpu.vector_load %arg6[%parallel_loop3A_576, %parallel_loop3A_577] {strides = array<i32>} : memref<64x224xf32, #tpu.memory_space<vmem>>, vector<16xf32>,
        tpu.vector_store %arg6[%parallel_loop3A_576, %parallel_loop3A_577], %parallel_loop3A_535 {strides = array<i32>} : memref<64x224xf32, #tpu.memory_space<vmem>>, vector<16xf32>,
      } {sc.loop_unroll_factor = 1 : i64, sc.parallel_access}
      %mul3A_46 = arith.constant 64 : i32
      %mul3A_47 = arith.muli %add3A_28, %mul3A_46 : i32
      %add3A_48 = arith.addi %mul3A_2, %mul3A_47 : i32
      %dma_start3A_49 = arith.constant 0 : i32
      %dma_start3A_50 = tpu.memref_slice %arg3[%add3A_48, %dma_start3A_49] : memref<172032x224xf32, #tpu.memory_space<hbm>> -> memref<64x224xf32, #tpu.memory_space<hbm>>
      %dma_start3A_51 = arith.constant 0 : i32
      %dma_start3A_52 = tpu.memref_slice %arg3[%add3A_48, %dma_start3A_51] : memref<172032x224xf32, #tpu.memory_space<hbm>> -> memref<64x224xf32, #tpu.memory_space<hbm>>
      tpu.enqueue_dma source(%arg6 : memref<64x224xf32, #tpu.memory_space<vmem>>) target(%dma_start3A_52 : memref<64x224xf32, #tpu.memory_space<hbm>>) target_semaphore(%arg10 : memref<!tpu.dma_semaphore, #tpu.memory_space<semaphore_mem>>)
      %mul3A_53 = arith.constant 2 : i32
      %mul3A_54 = arith.muli %scan3A_24, %mul3A_53 : i32
      %add3A_55 = arith.constant 1 : i32
      %add3A_56 = arith.addi %mul3A_54, %add3A_55 : i32
      %add3A_57 = arith.constant 1 : i32
      %add3A_58 = arith.addi %add3A_56, %add3A_57 : i32
      %lt3A_59 = arith.constant 84 : i32
      %lt3A_60 = arith.cmpi slt, %add3A_58, %lt3A_59 : i32
      %convert_element_type3A_61 = arith.extui %lt3A_60 : i1 to i32
      %cond3A_62 = arith.constant 0 : i32
      %cond3A_63 = arith.cmpi ne, %convert_element_type3A_61, %cond3A_62 : i32
      scf.if %cond3A_63 {
        %add3A_86 = arith.constant 1 : i32
        %add3A_87 = arith.addi %add3A_56, %add3A_86 : i32
        %mul3A_88 = arith.constant 64 : i32
        %mul3A_89 = arith.muli %add3A_87, %mul3A_88 : i32
        %add3A_90 = arith.addi %mul3A_2, %mul3A_89 : i32
        %dma_start3A_91 = arith.constant 0 : i32
        %dma_start3A_92 = tpu.memref_slice %arg2[%add3A_90, %dma_start3A_91] : memref<172032x224xf32, #tpu.memory_space<hbm>> -> memref<64x224xf32, #tpu.memory_space<hbm>>
        %dma_start3A_93 = arith.constant 0 : i32
        %dma_start3A_94 = tpu.memref_slice %arg2[%add3A_90, %dma_start3A_93] : memref<172032x224xf32, #tpu.memory_space<hbm>> -> memref<64x224xf32, #tpu.memory_space<hbm>>
        tpu.enqueue_dma source(%dma_start3A_94 : memref<64x224xf32, #tpu.memory_space<hbm>>) target(%arg4 : memref<64x224xf32, #tpu.memory_space<vmem>>) target_semaphore(%arg8 : memref<!tpu.dma_semaphore, #tpu.memory_space<semaphore_mem>>)
      } else {
      }
      %mul3A_64 = arith.constant 64 : i32
      %mul3A_65 = arith.muli %add3A_56, %mul3A_64 : i32
      %add3A_66 = arith.addi %mul3A_2, %mul3A_65 : i32
      %dma_wait3A_67 = arith.constant 0 : i32
      %dma_wait3A_68 = tpu.memref_slice %arg2[%add3A_66, %dma_wait3A_67] : memref<172032x224xf32, #tpu.memory_space<hbm>> -> memref<64x224xf32, #tpu.memory_space<hbm>>
      %dma_wait3A_69 = arith.constant 0 : i32
      %dma_wait3A_70 = tpu.memref_slice %arg2[%add3A_66, %dma_wait3A_69] : memref<172032x224xf32, #tpu.memory_space<hbm>> -> memref<64x224xf32, #tpu.memory_space<hbm>>
      tpu.wait_dma2 semaphore(%arg9 : memref<!tpu.dma_semaphore, #tpu.memory_space<semaphore_mem>>) src(%dma_wait3A_70 : memref<64x224xf32, #tpu.memory_space<hbm>>) dst(%arg5 : memref<64x224xf32, #tpu.memory_space<vmem>>)
      %ge3A_71 = arith.constant 2 : i32
      %ge3A_72 = arith.cmpi sge, %add3A_56, %ge3A_71 : i32
      %convert_element_type3A_73 = arith.extui %ge3A_72 : i1 to i32
      %cond3A_74 = arith.constant 0 : i32
      %cond3A_75 = arith.cmpi ne, %convert_element_type3A_73, %cond3A_74 : i32
      scf.if %cond3A_75 {
        %sub3A = arith.constant 2 : i32
        %sub3A_86 = arith.subi %add3A_56, %sub3A : i32
        %mul3A_87 = arith.constant 64 : i32
        %mul3A_88 = arith.muli %sub3A_86, %mul3A_87 : i32
        %add3A_89 = arith.addi %mul3A_2, %mul3A_88 : i32
        %dma_wait3A_90 = arith.constant 0 : i32
        %dma_wait3A_91 = tpu.memref_slice %arg3[%add3A_89, %dma_wait3A_90] : memref<172032x224xf32, #tpu.memory_space<hbm>> -> memref<64x224xf32, #tpu.memory_space<hbm>>
        %dma_wait3A_92 = arith.constant 0 : i32
        %dma_wait3A_93 = tpu.memref_slice %arg3[%add3A_89, %dma_wait3A_92] : memref<172032x224xf32, #tpu.memory_space<hbm>> -> memref<64x224xf32, #tpu.memory_space<hbm>>
        tpu.wait_dma2 semaphore(%arg11 : memref<!tpu.dma_semaphore, #tpu.memory_space<semaphore_mem>>) src(%arg7 : memref<64x224xf32, #tpu.memory_space<vmem>>) dst(%dma_wait3A_93 : memref<64x224xf32, #tpu.memory_space<hbm>>)
      } else {
      }
      %parallel_loop3A_76 = arith.constant 0 : i32
      %parallel_loop3A_77 = arith.constant 64 : i32
      %parallel_loop3A_78 = arith.constant 1 : i32
      scf.for %parallel_loop3A_86 = %parallel_loop3A_76 to %parallel_loop3A_77 step %parallel_loop3A_78  : i32 {
        %parallel_loop3A_87 = arith.index_cast %parallel_loop3A_86 : i32 to index
        %parallel_loop3A_88 = arith.constant 0 : index
        %parallel_loop3A_89 = tpu.vector_load %arg5[%parallel_loop3A_87, %parallel_loop3A_88] {strides = array<i32>} : memref<64x224xf32, #tpu.memory_space<vmem>>, vector<16xf32>,
        %parallel_loop3A_90 = arith.index_cast %parallel_loop3A_86 : i32 to index
        %parallel_loop3A_91 = arith.constant 16 : index
        %parallel_loop3A_92 = tpu.vector_load %arg5[%parallel_loop3A_90, %parallel_loop3A_91] {strides = array<i32>} : memref<64x224xf32, #tpu.memory_space<vmem>>, vector<16xf32>,
        %parallel_loop3A_93 = arith.index_cast %parallel_loop3A_86 : i32 to index
        %parallel_loop3A_94 = arith.constant 32 : index
        %parallel_loop3A_95 = tpu.vector_load %arg5[%parallel_loop3A_93, %parallel_loop3A_94] {strides = array<i32>} : memref<64x224xf32, #tpu.memory_space<vmem>>, vector<16xf32>,
        %parallel_loop3A_96 = arith.index_cast %parallel_loop3A_86 : i32 to index
        %parallel_loop3A_97 = arith.constant 48 : index
        %parallel_loop3A_98 = tpu.vector_load %arg5[%parallel_loop3A_96, %parallel_loop3A_97] {strides = array<i32>} : memref<64x224xf32, #tpu.memory_space<vmem>>, vector<16xf32>,
        %parallel_loop3A_99 = arith.index_cast %parallel_loop3A_86 : i32 to index
        %parallel_loop3A_100 = arith.constant 64 : index
        %parallel_loop3A_101 = tpu.vector_load %arg5[%parallel_loop3A_99, %parallel_loop3A_100] {strides = array<i32>} : memref<64x224xf32, #tpu.memory_space<vmem>>, vector<16xf32>,
        %parallel_loop3A_102 = arith.index_cast %parallel_loop3A_86 : i32 to index
        %parallel_loop3A_103 = arith.constant 80 : index
        %parallel_loop3A_104 = tpu.vector_load %arg5[%parallel_loop3A_102, %parallel_loop3A_103] {strides = array<i32>} : memref<64x224xf32, #tpu.memory_space<vmem>>, vector<16xf32>,
        %parallel_loop3A_105 = arith.index_cast %parallel_loop3A_86 : i32 to index
        %parallel_loop3A_106 = arith.constant 96 : index
        %parallel_loop3A_107 = tpu.vector_load %arg5[%parallel_loop3A_105, %parallel_loop3A_106] {strides = array<i32>} : memref<64x224xf32, #tpu.memory_space<vmem>>, vector<16xf32>,
        %parallel_loop3A_108 = arith.index_cast %parallel_loop3A_86 : i32 to index
        %parallel_loop3A_109 = arith.constant 112 : index
        %parallel_loop3A_110 = tpu.vector_load %arg5[%parallel_loop3A_108, %parallel_loop3A_109] {strides = array<i32>} : memref<64x224xf32, #tpu.memory_space<vmem>>, vector<16xf32>,
        %parallel_loop3A_111 = arith.index_cast %parallel_loop3A_86 : i32 to index
        %parallel_loop3A_112 = arith.constant 128 : index
        %parallel_loop3A_113 = tpu.vector_load %arg5[%parallel_loop3A_111, %parallel_loop3A_112] {strides = array<i32>} : memref<64x224xf32, #tpu.memory_space<vmem>>, vector<16xf32>,
        %parallel_loop3A_114 = arith.index_cast %parallel_loop3A_86 : i32 to index
        %parallel_loop3A_115 = arith.constant 144 : index
        %parallel_loop3A_116 = tpu.vector_load %arg5[%parallel_loop3A_114, %parallel_loop3A_115] {strides = array<i32>} : memref<64x224xf32, #tpu.memory_space<vmem>>, vector<16xf32>,
        %parallel_loop3A_117 = arith.index_cast %parallel_loop3A_86 : i32 to index
        %parallel_loop3A_118 = arith.constant 160 : index
        %parallel_loop3A_119 = tpu.vector_load %arg5[%parallel_loop3A_117, %parallel_loop3A_118] {strides = array<i32>} : memref<64x224xf32, #tpu.memory_space<vmem>>, vector<16xf32>,
        %parallel_loop3A_120 = arith.index_cast %parallel_loop3A_86 : i32 to index
        %parallel_loop3A_121 = arith.constant 176 : index
        %parallel_loop3A_122 = tpu.vector_load %arg5[%parallel_loop3A_120, %parallel_loop3A_121] {strides = array<i32>} : memref<64x224xf32, #tpu.memory_space<vmem>>, vector<16xf32>,
        %parallel_loop3A_123 = arith.index_cast %parallel_loop3A_86 : i32 to index
        %parallel_loop3A_124 = arith.constant 192 : index
        %parallel_loop3A_125 = tpu.vector_load %arg5[%parallel_loop3A_123, %parallel_loop3A_124] {strides = array<i32>} : memref<64x224xf32, #tpu.memory_space<vmem>>, vector<16xf32>,
        %parallel_loop3A_126 = arith.index_cast %parallel_loop3A_86 : i32 to index
        %parallel_loop3A_127 = arith.constant 208 : index
        %parallel_loop3A_128 = tpu.vector_load %arg5[%parallel_loop3A_126, %parallel_loop3A_127] {strides = array<i32>} : memref<64x224xf32, #tpu.memory_space<vmem>>, vector<16xf32>,
        %parallel_loop3A_129 = arith.constant dense<true> : vector<16xi1>
        %parallel_loop3A_130, %parallel_loop3A_131, %parallel_loop3A_132 = tpu.sort %parallel_loop3A_89, %parallel_loop3A_89 masked %parallel_loop3A_129 : (vector<16xf32>, vector<16xf32>, vector<16xi1>) -> (vector<16xi1>, vector<16xf32>, vector<16xf32>)
        %parallel_loop3A_133 = arith.constant dense<true> : vector<16xi1>
        %parallel_loop3A_134, %parallel_loop3A_135, %parallel_loop3A_136 = tpu.sort %parallel_loop3A_92, %parallel_loop3A_92 masked %parallel_loop3A_133 {descending = true} : (vector<16xf32>, vector<16xf32>, vector<16xi1>) -> (vector<16xi1>, vector<16xf32>, vector<16xf32>)
        %parallel_loop3A_137 = arith.constant dense<true> : vector<16xi1>
        %parallel_loop3A_138, %parallel_loop3A_139, %parallel_loop3A_140 = tpu.sort %parallel_loop3A_95, %parallel_loop3A_95 masked %parallel_loop3A_137 : (vector<16xf32>, vector<16xf32>, vector<16xi1>) -> (vector<16xi1>, vector<16xf32>, vector<16xf32>)
        %parallel_loop3A_141 = arith.constant dense<true> : vector<16xi1>
        %parallel_loop3A_142, %parallel_loop3A_143, %parallel_loop3A_144 = tpu.sort %parallel_loop3A_98, %parallel_loop3A_98 masked %parallel_loop3A_141 {descending = true} : (vector<16xf32>, vector<16xf32>, vector<16xi1>) -> (vector<16xi1>, vector<16xf32>, vector<16xf32>)
        %parallel_loop3A_145 = arith.constant dense<true> : vector<16xi1>
        %parallel_loop3A_146, %parallel_loop3A_147, %parallel_loop3A_148 = tpu.sort %parallel_loop3A_101, %parallel_loop3A_101 masked %parallel_loop3A_145 : (vector<16xf32>, vector<16xf32>, vector<16xi1>) -> (vector<16xi1>, vector<16xf32>, vector<16xf32>)
        %parallel_loop3A_149 = arith.constant dense<true> : vector<16xi1>
        %parallel_loop3A_150, %parallel_loop3A_151, %parallel_loop3A_152 = tpu.sort %parallel_loop3A_104, %parallel_loop3A_104 masked %parallel_loop3A_149 {descending = true} : (vector<16xf32>, vector<16xf32>, vector<16xi1>) -> (vector<16xi1>, vector<16xf32>, vector<16xf32>)
        %parallel_loop3A_153 = arith.constant dense<true> : vector<16xi1>
        %parallel_loop3A_154, %parallel_loop3A_155, %parallel_loop3A_156 = tpu.sort %parallel_loop3A_107, %parallel_loop3A_107 masked %parallel_loop3A_153 : (vector<16xf32>, vector<16xf32>, vector<16xi1>) -> (vector<16xi1>, vector<16xf32>, vector<16xf32>)
        %parallel_loop3A_157 = arith.constant dense<true> : vector<16xi1>
        %parallel_loop3A_158, %parallel_loop3A_159, %parallel_loop3A_160 = tpu.sort %parallel_loop3A_110, %parallel_loop3A_110 masked %parallel_loop3A_157 {descending = true} : (vector<16xf32>, vector<16xf32>, vector<16xi1>) -> (vector<16xi1>, vector<16xf32>, vector<16xf32>)
        %parallel_loop3A_161 = arith.constant dense<true> : vector<16xi1>
        %parallel_loop3A_162, %parallel_loop3A_163, %parallel_loop3A_164 = tpu.sort %parallel_loop3A_113, %parallel_loop3A_113 masked %parallel_loop3A_161 : (vector<16xf32>, vector<16xf32>, vector<16xi1>) -> (vector<16xi1>, vector<16xf32>, vector<16xf32>)
        %parallel_loop3A_165 = arith.constant dense<true> : vector<16xi1>
        %parallel_loop3A_166, %parallel_loop3A_167, %parallel_loop3A_168 = tpu.sort %parallel_loop3A_116, %parallel_loop3A_116 masked %parallel_loop3A_165 {descending = true} : (vector<16xf32>, vector<16xf32>, vector<16xi1>) -> (vector<16xi1>, vector<16xf32>, vector<16xf32>)
        %parallel_loop3A_169 = arith.constant dense<true> : vector<16xi1>
        %parallel_loop3A_170, %parallel_loop3A_171, %parallel_loop3A_172 = tpu.sort %parallel_loop3A_119, %parallel_loop3A_119 masked %parallel_loop3A_169 : (vector<16xf32>, vector<16xf32>, vector<16xi1>) -> (vector<16xi1>, vector<16xf32>, vector<16xf32>)
        %parallel_loop3A_173 = arith.constant dense<true> : vector<16xi1>
        %parallel_loop3A_174, %parallel_loop3A_175, %parallel_loop3A_176 = tpu.sort %parallel_loop3A_122, %parallel_loop3A_122 masked %parallel_loop3A_173 {descending = true} : (vector<16xf32>, vector<16xf32>, vector<16xi1>) -> (vector<16xi1>, vector<16xf32>, vector<16xf32>)
        %parallel_loop3A_177 = arith.constant dense<true> : vector<16xi1>
        %parallel_loop3A_178, %parallel_loop3A_179, %parallel_loop3A_180 = tpu.sort %parallel_loop3A_125, %parallel_loop3A_125 masked %parallel_loop3A_177 : (vector<16xf32>, vector<16xf32>, vector<16xi1>) -> (vector<16xi1>, vector<16xf32>, vector<16xf32>)
        %parallel_loop3A_181 = arith.constant dense<true> : vector<16xi1>
        %parallel_loop3A_182, %parallel_loop3A_183, %parallel_loop3A_184 = tpu.sort %parallel_loop3A_128, %parallel_loop3A_128 masked %parallel_loop3A_181 {descending = true} : (vector<16xf32>, vector<16xf32>, vector<16xi1>) -> (vector<16xi1>, vector<16xf32>, vector<16xf32>)
        %parallel_loop3A_185 = arith.minimumf %parallel_loop3A_131, %parallel_loop3A_135 : vector<16xf32>
        %parallel_loop3A_186 = arith.maximumf %parallel_loop3A_131, %parallel_loop3A_135 : vector<16xf32>
        %parallel_loop3A_187 = arith.minimumf %parallel_loop3A_139, %parallel_loop3A_143 : vector<16xf32>
        %parallel_loop3A_188 = arith.maximumf %parallel_loop3A_139, %parallel_loop3A_143 : vector<16xf32>
        %parallel_loop3A_189 = arith.minimumf %parallel_loop3A_147, %parallel_loop3A_151 : vector<16xf32>
        %parallel_loop3A_190 = arith.maximumf %parallel_loop3A_147, %parallel_loop3A_151 : vector<16xf32>
        %parallel_loop3A_191 = arith.minimumf %parallel_loop3A_155, %parallel_loop3A_159 : vector<16xf32>
        %parallel_loop3A_192 = arith.maximumf %parallel_loop3A_155, %parallel_loop3A_159 : vector<16xf32>
        %parallel_loop3A_193 = arith.minimumf %parallel_loop3A_163, %parallel_loop3A_167 : vector<16xf32>
        %parallel_loop3A_194 = arith.maximumf %parallel_loop3A_163, %parallel_loop3A_167 : vector<16xf32>
        %parallel_loop3A_195 = arith.minimumf %parallel_loop3A_171, %parallel_loop3A_175 : vector<16xf32>
        %parallel_loop3A_196 = arith.maximumf %parallel_loop3A_171, %parallel_loop3A_175 : vector<16xf32>
        %parallel_loop3A_197 = arith.minimumf %parallel_loop3A_179, %parallel_loop3A_183 : vector<16xf32>
        %parallel_loop3A_198 = arith.maximumf %parallel_loop3A_179, %parallel_loop3A_183 : vector<16xf32>
        %parallel_loop3A_199 = arith.constant dense<true> : vector<16xi1>
        %parallel_loop3A_200, %parallel_loop3A_201, %parallel_loop3A_202 = tpu.sort %parallel_loop3A_185, %parallel_loop3A_185 masked %parallel_loop3A_199 : (vector<16xf32>, vector<16xf32>, vector<16xi1>) -> (vector<16xi1>, vector<16xf32>, vector<16xf32>)
        %parallel_loop3A_203 = arith.constant dense<true> : vector<16xi1>
        %parallel_loop3A_204, %parallel_loop3A_205, %parallel_loop3A_206 = tpu.sort %parallel_loop3A_186, %parallel_loop3A_186 masked %parallel_loop3A_203 : (vector<16xf32>, vector<16xf32>, vector<16xi1>) -> (vector<16xi1>, vector<16xf32>, vector<16xf32>)
        %parallel_loop3A_207 = arith.constant dense<true> : vector<16xi1>
        %parallel_loop3A_208, %parallel_loop3A_209, %parallel_loop3A_210 = tpu.sort %parallel_loop3A_188, %parallel_loop3A_188 masked %parallel_loop3A_207 {descending = true} : (vector<16xf32>, vector<16xf32>, vector<16xi1>) -> (vector<16xi1>, vector<16xf32>, vector<16xf32>)
        %parallel_loop3A_211 = arith.constant dense<true> : vector<16xi1>
        %parallel_loop3A_212, %parallel_loop3A_213, %parallel_loop3A_214 = tpu.sort %parallel_loop3A_187, %parallel_loop3A_187 masked %parallel_loop3A_211 {descending = true} : (vector<16xf32>, vector<16xf32>, vector<16xi1>) -> (vector<16xi1>, vector<16xf32>, vector<16xf32>)
        %parallel_loop3A_215 = arith.constant dense<true> : vector<16xi1>
        %parallel_loop3A_216, %parallel_loop3A_217, %parallel_loop3A_218 = tpu.sort %parallel_loop3A_189, %parallel_loop3A_189 masked %parallel_loop3A_215 : (vector<16xf32>, vector<16xf32>, vector<16xi1>) -> (vector<16xi1>, vector<16xf32>, vector<16xf32>)
        %parallel_loop3A_219 = arith.constant dense<true> : vector<16xi1>
        %parallel_loop3A_220, %parallel_loop3A_221, %parallel_loop3A_222 = tpu.sort %parallel_loop3A_190, %parallel_loop3A_190 masked %parallel_loop3A_219 : (vector<16xf32>, vector<16xf32>, vector<16xi1>) -> (vector<16xi1>, vector<16xf32>, vector<16xf32>)
        %parallel_loop3A_223 = arith.constant dense<true> : vector<16xi1>
        %parallel_loop3A_224, %parallel_loop3A_225, %parallel_loop3A_226 = tpu.sort %parallel_loop3A_192, %parallel_loop3A_192 masked %parallel_loop3A_223 {descending = true} : (vector<16xf32>, vector<16xf32>, vector<16xi1>) -> (vector<16xi1>, vector<16xf32>, vector<16xf32>)
        %parallel_loop3A_227 = arith.constant dense<true> : vector<16xi1>
        %parallel_loop3A_228, %parallel_loop3A_229, %parallel_loop3A_230 = tpu.sort %parallel_loop3A_191, %parallel_loop3A_191 masked %parallel_loop3A_227 {descending = true} : (vector<16xf32>, vector<16xf32>, vector<16xi1>) -> (vector<16xi1>, vector<16xf32>, vector<16xf32>)
        %parallel_loop3A_231 = arith.constant dense<true> : vector<16xi1>
        %parallel_loop3A_232, %parallel_loop3A_233, %parallel_loop3A_234 = tpu.sort %parallel_loop3A_193, %parallel_loop3A_193 masked %parallel_loop3A_231 : (vector<16xf32>, vector<16xf32>, vector<16xi1>) -> (vector<16xi1>, vector<16xf32>, vector<16xf32>)
        %parallel_loop3A_235 = arith.constant dense<true> : vector<16xi1>
        %parallel_loop3A_236, %parallel_loop3A_237, %parallel_loop3A_238 = tpu.sort %parallel_loop3A_194, %parallel_loop3A_194 masked %parallel_loop3A_235 : (vector<16xf32>, vector<16xf32>, vector<16xi1>) -> (vector<16xi1>, vector<16xf32>, vector<16xf32>)
        %parallel_loop3A_239 = arith.constant dense<true> : vector<16xi1>
        %parallel_loop3A_240, %parallel_loop3A_241, %parallel_loop3A_242 = tpu.sort %parallel_loop3A_196, %parallel_loop3A_196 masked %parallel_loop3A_239 {descending = true} : (vector<16xf32>, vector<16xf32>, vector<16xi1>) -> (vector<16xi1>, vector<16xf32>, vector<16xf32>)
        %parallel_loop3A_243 = arith.constant dense<true> : vector<16xi1>
        %parallel_loop3A_244, %parallel_loop3A_245, %parallel_loop3A_246 = tpu.sort %parallel_loop3A_195, %parallel_loop3A_195 masked %parallel_loop3A_243 {descending = true} : (vector<16xf32>, vector<16xf32>, vector<16xi1>) -> (vector<16xi1>, vector<16xf32>, vector<16xf32>)
        %parallel_loop3A_247 = arith.constant dense<true> : vector<16xi1>
        %parallel_loop3A_248, %parallel_loop3A_249, %parallel_loop3A_250 = tpu.sort %parallel_loop3A_197, %parallel_loop3A_197 masked %parallel_loop3A_247 : (vector<16xf32>, vector<16xf32>, vector<16xi1>) -> (vector<16xi1>, vector<16xf32>, vector<16xf32>)
        %parallel_loop3A_251 = arith.constant dense<true> : vector<16xi1>
        %parallel_loop3A_252, %parallel_loop3A_253, %parallel_loop3A_254 = tpu.sort %parallel_loop3A_198, %parallel_loop3A_198 masked %parallel_loop3A_251 : (vector<16xf32>, vector<16xf32>, vector<16xi1>) -> (vector<16xi1>, vector<16xf32>, vector<16xf32>)
        %parallel_loop3A_255 = arith.minimumf %parallel_loop3A_201, %parallel_loop3A_209 : vector<16xf32>
        %parallel_loop3A_256 = arith.maximumf %parallel_loop3A_201, %parallel_loop3A_209 : vector<16xf32>
        %parallel_loop3A_257 = arith.minimumf %parallel_loop3A_205, %parallel_loop3A_213 : vector<16xf32>
        %parallel_loop3A_258 = arith.maximumf %parallel_loop3A_205, %parallel_loop3A_213 : vector<16xf32>
        %parallel_loop3A_259 = arith.minimumf %parallel_loop3A_217, %parallel_loop3A_225 : vector<16xf32>
        %parallel_loop3A_260 = arith.maximumf %parallel_loop3A_217, %parallel_loop3A_225 : vector<16xf32>
        %parallel_loop3A_261 = arith.minimumf %parallel_loop3A_221, %parallel_loop3A_229 : vector<16xf32>
        %parallel_loop3A_262 = arith.maximumf %parallel_loop3A_221, %parallel_loop3A_229 : vector<16xf32>
        %parallel_loop3A_263 = arith.minimumf %parallel_loop3A_233, %parallel_loop3A_241 : vector<16xf32>
        %parallel_loop3A_264 = arith.maximumf %parallel_loop3A_233, %parallel_loop3A_241 : vector<16xf32>
        %parallel_loop3A_265 = arith.minimumf %parallel_loop3A_237, %parallel_loop3A_245 : vector<16xf32>
        %parallel_loop3A_266 = arith.maximumf %parallel_loop3A_237, %parallel_loop3A_245 : vector<16xf32>
        %parallel_loop3A_267 = arith.minimumf %parallel_loop3A_255, %parallel_loop3A_257 : vector<16xf32>
        %parallel_loop3A_268 = arith.maximumf %parallel_loop3A_255, %parallel_loop3A_257 : vector<16xf32>
        %parallel_loop3A_269 = arith.minimumf %parallel_loop3A_256, %parallel_loop3A_258 : vector<16xf32>
        %parallel_loop3A_270 = arith.maximumf %parallel_loop3A_256, %parallel_loop3A_258 : vector<16xf32>
        %parallel_loop3A_271 = arith.minimumf %parallel_loop3A_260, %parallel_loop3A_262 : vector<16xf32>
        %parallel_loop3A_272 = arith.maximumf %parallel_loop3A_260, %parallel_loop3A_262 : vector<16xf32>
        %parallel_loop3A_273 = arith.minimumf %parallel_loop3A_259, %parallel_loop3A_261 : vector<16xf32>
        %parallel_loop3A_274 = arith.maximumf %parallel_loop3A_259, %parallel_loop3A_261 : vector<16xf32>
        %parallel_loop3A_275 = arith.minimumf %parallel_loop3A_263, %parallel_loop3A_265 : vector<16xf32>
        %parallel_loop3A_276 = arith.maximumf %parallel_loop3A_263, %parallel_loop3A_265 : vector<16xf32>
        %parallel_loop3A_277 = arith.minimumf %parallel_loop3A_264, %parallel_loop3A_266 : vector<16xf32>
        %parallel_loop3A_278 = arith.maximumf %parallel_loop3A_264, %parallel_loop3A_266 : vector<16xf32>
        %parallel_loop3A_279 = arith.minimumf %parallel_loop3A_249, %parallel_loop3A_253 : vector<16xf32>
        %parallel_loop3A_280 = arith.maximumf %parallel_loop3A_249, %parallel_loop3A_253 : vector<16xf32>
        %parallel_loop3A_281 = arith.constant dense<true> : vector<16xi1>
        %parallel_loop3A_282, %parallel_loop3A_283, %parallel_loop3A_284 = tpu.sort %parallel_loop3A_267, %parallel_loop3A_267 masked %parallel_loop3A_281 : (vector<16xf32>, vector<16xf32>, vector<16xi1>) -> (vector<16xi1>, vector<16xf32>, vector<16xf32>)
        %parallel_loop3A_285 = arith.constant dense<true> : vector<16xi1>
        %parallel_loop3A_286, %parallel_loop3A_287, %parallel_loop3A_288 = tpu.sort %parallel_loop3A_268, %parallel_loop3A_268 masked %parallel_loop3A_285 : (vector<16xf32>, vector<16xf32>, vector<16xi1>) -> (vector<16xi1>, vector<16xf32>, vector<16xf32>)
        %parallel_loop3A_289 = arith.constant dense<true> : vector<16xi1>
        %parallel_loop3A_290, %parallel_loop3A_291, %parallel_loop3A_292 = tpu.sort %parallel_loop3A_269, %parallel_loop3A_269 masked %parallel_loop3A_289 : (vector<16xf32>, vector<16xf32>, vector<16xi1>) -> (vector<16xi1>, vector<16xf32>, vector<16xf32>)
        %parallel_loop3A_293 = arith.constant dense<true> : vector<16xi1>
        %parallel_loop3A_294, %parallel_loop3A_295, %parallel_loop3A_296 = tpu.sort %parallel_loop3A_270, %parallel_loop3A_270 masked %parallel_loop3A_293 : (vector<16xf32>, vector<16xf32>, vector<16xi1>) -> (vector<16xi1>, vector<16xf32>, vector<16xf32>)
        %parallel_loop3A_297 = arith.constant dense<true> : vector<16xi1>
        %parallel_loop3A_298, %parallel_loop3A_299, %parallel_loop3A_300 = tpu.sort %parallel_loop3A_272, %parallel_loop3A_272 masked %parallel_loop3A_297 {descending = true} : (vector<16xf32>, vector<16xf32>, vector<16xi1>) -> (vector<16xi1>, vector<16xf32>, vector<16xf32>)
        %parallel_loop3A_301 = arith.constant dense<true> : vector<16xi1>
        %parallel_loop3A_302, %parallel_loop3A_303, %parallel_loop3A_304 = tpu.sort %parallel_loop3A_271, %parallel_loop3A_271 masked %parallel_loop3A_301 {descending = true} : (vector<16xf32>, vector<16xf32>, vector<16xi1>) -> (vector<16xi1>, vector<16xf32>, vector<16xf32>)
        %parallel_loop3A_305 = arith.constant dense<true> : vector<16xi1>
        %parallel_loop3A_306, %parallel_loop3A_307, %parallel_loop3A_308 = tpu.sort %parallel_loop3A_274, %parallel_loop3A_274 masked %parallel_loop3A_305 {descending = true} : (vector<16xf32>, vector<16xf32>, vector<16xi1>) -> (vector<16xi1>, vector<16xf32>, vector<16xf32>)
        %parallel_loop3A_309 = arith.constant dense<true> : vector<16xi1>
        %parallel_loop3A_310, %parallel_loop3A_311, %parallel_loop3A_312 = tpu.sort %parallel_loop3A_273, %parallel_loop3A_273 masked %parallel_loop3A_309 {descending = true} : (vector<16xf32>, vector<16xf32>, vector<16xi1>) -> (vector<16xi1>, vector<16xf32>, vector<16xf32>)
        %parallel_loop3A_313 = arith.constant dense<true> : vector<16xi1>
        %parallel_loop3A_314, %parallel_loop3A_315, %parallel_loop3A_316 = tpu.sort %parallel_loop3A_275, %parallel_loop3A_275 masked %parallel_loop3A_313 : (vector<16xf32>, vector<16xf32>, vector<16xi1>) -> (vector<16xi1>, vector<16xf32>, vector<16xf32>)
        %parallel_loop3A_317 = arith.constant dense<true> : vector<16xi1>
        %parallel_loop3A_318, %parallel_loop3A_319, %parallel_loop3A_320 = tpu.sort %parallel_loop3A_276, %parallel_loop3A_276 masked %parallel_loop3A_317 : (vector<16xf32>, vector<16xf32>, vector<16xi1>) -> (vector<16xi1>, vector<16xf32>, vector<16xf32>)
        %parallel_loop3A_321 = arith.constant dense<true> : vector<16xi1>
        %parallel_loop3A_322, %parallel_loop3A_323, %parallel_loop3A_324 = tpu.sort %parallel_loop3A_277, %parallel_loop3A_277 masked %parallel_loop3A_321 : (vector<16xf32>, vector<16xf32>, vector<16xi1>) -> (vector<16xi1>, vector<16xf32>, vector<16xf32>)
        %parallel_loop3A_325 = arith.constant dense<true> : vector<16xi1>
        %parallel_loop3A_326, %parallel_loop3A_327, %parallel_loop3A_328 = tpu.sort %parallel_loop3A_278, %parallel_loop3A_278 masked %parallel_loop3A_325 : (vector<16xf32>, vector<16xf32>, vector<16xi1>) -> (vector<16xi1>, vector<16xf32>, vector<16xf32>)
        %parallel_loop3A_329 = arith.constant dense<true> : vector<16xi1>
        %parallel_loop3A_330, %parallel_loop3A_331, %parallel_loop3A_332 = tpu.sort %parallel_loop3A_280, %parallel_loop3A_280 masked %parallel_loop3A_329 {descending = true} : (vector<16xf32>, vector<16xf32>, vector<16xi1>) -> (vector<16xi1>, vector<16xf32>, vector<16xf32>)
        %parallel_loop3A_333 = arith.constant dense<true> : vector<16xi1>
        %parallel_loop3A_334, %parallel_loop3A_335, %parallel_loop3A_336 = tpu.sort %parallel_loop3A_279, %parallel_loop3A_279 masked %parallel_loop3A_333 {descending = true} : (vector<16xf32>, vector<16xf32>, vector<16xi1>) -> (vector<16xi1>, vector<16xf32>, vector<16xf32>)
        %parallel_loop3A_337 = arith.minimumf %parallel_loop3A_283, %parallel_loop3A_299 : vector<16xf32>
        %parallel_loop3A_338 = arith.maximumf %parallel_loop3A_283, %parallel_loop3A_299 : vector<16xf32>
        %parallel_loop3A_339 = arith.minimumf %parallel_loop3A_287, %parallel_loop3A_303 : vector<16xf32>
        %parallel_loop3A_340 = arith.maximumf %parallel_loop3A_287, %parallel_loop3A_303 : vector<16xf32>
        %parallel_loop3A_341 = arith.minimumf %parallel_loop3A_291, %parallel_loop3A_307 : vector<16xf32>
        %parallel_loop3A_342 = arith.maximumf %parallel_loop3A_291, %parallel_loop3A_307 : vector<16xf32>
        %parallel_loop3A_343 = arith.minimumf %parallel_loop3A_295, %parallel_loop3A_311 : vector<16xf32>
        %parallel_loop3A_344 = arith.maximumf %parallel_loop3A_295, %parallel_loop3A_311 : vector<16xf32>
        %parallel_loop3A_345 = arith.minimumf %parallel_loop3A_323, %parallel_loop3A_331 : vector<16xf32>
        %parallel_loop3A_346 = arith.maximumf %parallel_loop3A_323, %parallel_loop3A_331 : vector<16xf32>
        %parallel_loop3A_347 = arith.minimumf %parallel_loop3A_327, %parallel_loop3A_335 : vector<16xf32>
        %parallel_loop3A_348 = arith.maximumf %parallel_loop3A_327, %parallel_loop3A_335 : vector<16xf32>
        %parallel_loop3A_349 = arith.minimumf %parallel_loop3A_337, %parallel_loop3A_341 : vector<16xf32>
        %parallel_loop3A_350 = arith.maximumf %parallel_loop3A_337, %parallel_loop3A_341 : vector<16xf32>
        %parallel_loop3A_351 = arith.minimumf %parallel_loop3A_339, %parallel_loop3A_343 : vector<16xf32>
        %parallel_loop3A_352 = arith.maximumf %parallel_loop3A_339, %parallel_loop3A_343 : vector<16xf32>
        %parallel_loop3A_353 = arith.minimumf %parallel_loop3A_338, %parallel_loop3A_342 : vector<16xf32>
        %parallel_loop3A_354 = arith.maximumf %parallel_loop3A_338, %parallel_loop3A_342 : vector<16xf32>
        %parallel_loop3A_355 = arith.minimumf %parallel_loop3A_340, %parallel_loop3A_344 : vector<16xf32>
        %parallel_loop3A_356 = arith.maximumf %parallel_loop3A_340, %parallel_loop3A_344 : vector<16xf32>
        %parallel_loop3A_357 = arith.minimumf %parallel_loop3A_315, %parallel_loop3A_345 : vector<16xf32>
        %parallel_loop3A_358 = arith.maximumf %parallel_loop3A_315, %parallel_loop3A_345 : vector<16xf32>
        %parallel_loop3A_359 = arith.minimumf %parallel_loop3A_319, %parallel_loop3A_347 : vector<16xf32>
        %parallel_loop3A_360 = arith.maximumf %parallel_loop3A_319, %parallel_loop3A_347 : vector<16xf32>
        %parallel_loop3A_361 = arith.minimumf %parallel_loop3A_349, %parallel_loop3A_351 : vector<16xf32>
        %parallel_loop3A_362 = arith.maximumf %parallel_loop3A_349, %parallel_loop3A_351 : vector<16xf32>
        %parallel_loop3A_363 = arith.minimumf %parallel_loop3A_350, %parallel_loop3A_352 : vector<16xf32>
        %parallel_loop3A_364 = arith.maximumf %parallel_loop3A_350, %parallel_loop3A_352 : vector<16xf32>
        %parallel_loop3A_365 = arith.minimumf %parallel_loop3A_353, %parallel_loop3A_355 : vector<16xf32>
        %parallel_loop3A_366 = arith.maximumf %parallel_loop3A_353, %parallel_loop3A_355 : vector<16xf32>
        %parallel_loop3A_367 = arith.minimumf %parallel_loop3A_354, %parallel_loop3A_356 : vector<16xf32>
        %parallel_loop3A_368 = arith.maximumf %parallel_loop3A_354, %parallel_loop3A_356 : vector<16xf32>
        %parallel_loop3A_369 = arith.minimumf %parallel_loop3A_346, %parallel_loop3A_348 : vector<16xf32>
        %parallel_loop3A_370 = arith.maximumf %parallel_loop3A_346, %parallel_loop3A_348 : vector<16xf32>
        %parallel_loop3A_371 = arith.minimumf %parallel_loop3A_358, %parallel_loop3A_360 : vector<16xf32>
        %parallel_loop3A_372 = arith.maximumf %parallel_loop3A_358, %parallel_loop3A_360 : vector<16xf32>
        %parallel_loop3A_373 = arith.minimumf %parallel_loop3A_357, %parallel_loop3A_359 : vector<16xf32>
        %parallel_loop3A_374 = arith.maximumf %parallel_loop3A_357, %parallel_loop3A_359 : vector<16xf32>
        %parallel_loop3A_375 = arith.constant dense<true> : vector<16xi1>
        %parallel_loop3A_376, %parallel_loop3A_377, %parallel_loop3A_378 = tpu.sort %parallel_loop3A_361, %parallel_loop3A_361 masked %parallel_loop3A_375 : (vector<16xf32>, vector<16xf32>, vector<16xi1>) -> (vector<16xi1>, vector<16xf32>, vector<16xf32>)
        %parallel_loop3A_379 = arith.constant dense<true> : vector<16xi1>
        %parallel_loop3A_380, %parallel_loop3A_381, %parallel_loop3A_382 = tpu.sort %parallel_loop3A_362, %parallel_loop3A_362 masked %parallel_loop3A_379 : (vector<16xf32>, vector<16xf32>, vector<16xi1>) -> (vector<16xi1>, vector<16xf32>, vector<16xf32>)
        %parallel_loop3A_383 = arith.constant dense<true> : vector<16xi1>
        %parallel_loop3A_384, %parallel_loop3A_385, %parallel_loop3A_386 = tpu.sort %parallel_loop3A_363, %parallel_loop3A_363 masked %parallel_loop3A_383 : (vector<16xf32>, vector<16xf32>, vector<16xi1>) -> (vector<16xi1>, vector<16xf32>, vector<16xf32>)
        %parallel_loop3A_387 = arith.constant dense<true> : vector<16xi1>
        %parallel_loop3A_388, %parallel_loop3A_389, %parallel_loop3A_390 = tpu.sort %parallel_loop3A_364, %parallel_loop3A_364 masked %parallel_loop3A_387 : (vector<16xf32>, vector<16xf32>, vector<16xi1>) -> (vector<16xi1>, vector<16xf32>, vector<16xf32>)
        %parallel_loop3A_391 = arith.constant dense<true> : vector<16xi1>
        %parallel_loop3A_392, %parallel_loop3A_393, %parallel_loop3A_394 = tpu.sort %parallel_loop3A_365, %parallel_loop3A_365 masked %parallel_loop3A_391 : (vector<16xf32>, vector<16xf32>, vector<16xi1>) -> (vector<16xi1>, vector<16xf32>, vector<16xf32>)
        %parallel_loop3A_395 = arith.constant dense<true> : vector<16xi1>
        %parallel_loop3A_396, %parallel_loop3A_397, %parallel_loop3A_398 = tpu.sort %parallel_loop3A_366, %parallel_loop3A_366 masked %parallel_loop3A_395 : (vector<16xf32>, vector<16xf32>, vector<16xi1>) -> (vector<16xi1>, vector<16xf32>, vector<16xf32>)
        %parallel_loop3A_399 = arith.constant dense<true> : vector<16xi1>
        %parallel_loop3A_400, %parallel_loop3A_401, %parallel_loop3A_402 = tpu.sort %parallel_loop3A_367, %parallel_loop3A_367 masked %parallel_loop3A_399 : (vector<16xf32>, vector<16xf32>, vector<16xi1>) -> (vector<16xi1>, vector<16xf32>, vector<16xf32>)
        %parallel_loop3A_403 = arith.constant dense<true> : vector<16xi1>
        %parallel_loop3A_404, %parallel_loop3A_405, %parallel_loop3A_406 = tpu.sort %parallel_loop3A_368, %parallel_loop3A_368 masked %parallel_loop3A_403 : (vector<16xf32>, vector<16xf32>, vector<16xi1>) -> (vector<16xi1>, vector<16xf32>, vector<16xf32>)
        %parallel_loop3A_407 = arith.constant dense<true> : vector<16xi1>
        %parallel_loop3A_408, %parallel_loop3A_409, %parallel_loop3A_410 = tpu.sort %parallel_loop3A_370, %parallel_loop3A_370 masked %parallel_loop3A_407 {descending = true} : (vector<16xf32>, vector<16xf32>, vector<16xi1>) -> (vector<16xi1>, vector<16xf32>, vector<16xf32>)
        %parallel_loop3A_411 = arith.constant dense<true> : vector<16xi1>
        %parallel_loop3A_412, %parallel_loop3A_413, %parallel_loop3A_414 = tpu.sort %parallel_loop3A_369, %parallel_loop3A_369 masked %parallel_loop3A_411 {descending = true} : (vector<16xf32>, vector<16xf32>, vector<16xi1>) -> (vector<16xi1>, vector<16xf32>, vector<16xf32>)
        %parallel_loop3A_415 = arith.constant dense<true> : vector<16xi1>
        %parallel_loop3A_416, %parallel_loop3A_417, %parallel_loop3A_418 = tpu.sort %parallel_loop3A_372, %parallel_loop3A_372 masked %parallel_loop3A_415 {descending = true} : (vector<16xf32>, vector<16xf32>, vector<16xi1>) -> (vector<16xi1>, vector<16xf32>, vector<16xf32>)
        %parallel_loop3A_419 = arith.constant dense<true> : vector<16xi1>
        %parallel_loop3A_420, %parallel_loop3A_421, %parallel_loop3A_422 = tpu.sort %parallel_loop3A_371, %parallel_loop3A_371 masked %parallel_loop3A_419 {descending = true} : (vector<16xf32>, vector<16xf32>, vector<16xi1>) -> (vector<16xi1>, vector<16xf32>, vector<16xf32>)
        %parallel_loop3A_423 = arith.constant dense<true> : vector<16xi1>
        %parallel_loop3A_424, %parallel_loop3A_425, %parallel_loop3A_426 = tpu.sort %parallel_loop3A_374, %parallel_loop3A_374 masked %parallel_loop3A_423 {descending = true} : (vector<16xf32>, vector<16xf32>, vector<16xi1>) -> (vector<16xi1>, vector<16xf32>, vector<16xf32>)
        %parallel_loop3A_427 = arith.constant dense<true> : vector<16xi1>
        %parallel_loop3A_428, %parallel_loop3A_429, %parallel_loop3A_430 = tpu.sort %parallel_loop3A_373, %parallel_loop3A_373 masked %parallel_loop3A_427 {descending = true} : (vector<16xf32>, vector<16xf32>, vector<16xi1>) -> (vector<16xi1>, vector<16xf32>, vector<16xf32>)
        %parallel_loop3A_431 = arith.minimumf %parallel_loop3A_385, %parallel_loop3A_409 : vector<16xf32>
        %parallel_loop3A_432 = arith.maximumf %parallel_loop3A_385, %parallel_loop3A_409 : vector<16xf32>
        %parallel_loop3A_433 = arith.minimumf %parallel_loop3A_389, %parallel_loop3A_413 : vector<16xf32>
        %parallel_loop3A_434 = arith.maximumf %parallel_loop3A_389, %parallel_loop3A_413 : vector<16xf32>
        %parallel_loop3A_435 = arith.minimumf %parallel_loop3A_393, %parallel_loop3A_417 : vector<16xf32>
        %parallel_loop3A_436 = arith.maximumf %parallel_loop3A_393, %parallel_loop3A_417 : vector<16xf32>
        %parallel_loop3A_437 = arith.minimumf %parallel_loop3A_397, %parallel_loop3A_421 : vector<16xf32>
        %parallel_loop3A_438 = arith.maximumf %parallel_loop3A_397, %parallel_loop3A_421 : vector<16xf32>
        %parallel_loop3A_439 = arith.minimumf %parallel_loop3A_401, %parallel_loop3A_425 : vector<16xf32>
        %parallel_loop3A_440 = arith.maximumf %parallel_loop3A_401, %parallel_loop3A_425 : vector<16xf32>
        %parallel_loop3A_441 = arith.minimumf %parallel_loop3A_405, %parallel_loop3A_429 : vector<16xf32>
        %parallel_loop3A_442 = arith.maximumf %parallel_loop3A_405, %parallel_loop3A_429 : vector<16xf32>
        %parallel_loop3A_443 = arith.minimumf %parallel_loop3A_377, %parallel_loop3A_435 : vector<16xf32>
        %parallel_loop3A_444 = arith.maximumf %parallel_loop3A_377, %parallel_loop3A_435 : vector<16xf32>
        %parallel_loop3A_445 = arith.minimumf %parallel_loop3A_381, %parallel_loop3A_437 : vector<16xf32>
        %parallel_loop3A_446 = arith.maximumf %parallel_loop3A_381, %parallel_loop3A_437 : vector<16xf32>
        %parallel_loop3A_447 = arith.minimumf %parallel_loop3A_431, %parallel_loop3A_439 : vector<16xf32>
        %parallel_loop3A_448 = arith.maximumf %parallel_loop3A_431, %parallel_loop3A_439 : vector<16xf32>
        %parallel_loop3A_449 = arith.minimumf %parallel_loop3A_433, %parallel_loop3A_441 : vector<16xf32>
        %parallel_loop3A_450 = arith.maximumf %parallel_loop3A_433, %parallel_loop3A_441 : vector<16xf32>
        %parallel_loop3A_451 = arith.minimumf %parallel_loop3A_432, %parallel_loop3A_440 : vector<16xf32>
        %parallel_loop3A_452 = arith.maximumf %parallel_loop3A_432, %parallel_loop3A_440 : vector<16xf32>
        %parallel_loop3A_453 = arith.minimumf %parallel_loop3A_434, %parallel_loop3A_442 : vector<16xf32>
        %parallel_loop3A_454 = arith.maximumf %parallel_loop3A_434, %parallel_loop3A_442 : vector<16xf32>
        %parallel_loop3A_455 = arith.minimumf %parallel_loop3A_443, %parallel_loop3A_447 : vector<16xf32>
        %parallel_loop3A_456 = arith.maximumf %parallel_loop3A_443, %parallel_loop3A_447 : vector<16xf32>
        %parallel_loop3A_457 = arith.minimumf %parallel_loop3A_445, %parallel_loop3A_449 : vector<16xf32>
        %parallel_loop3A_458 = arith.maximumf %parallel_loop3A_445, %parallel_loop3A_449 : vector<16xf32>
        %parallel_loop3A_459 = arith.minimumf %parallel_loop3A_444, %parallel_loop3A_448 : vector<16xf32>
        %parallel_loop3A_460 = arith.maximumf %parallel_loop3A_444, %parallel_loop3A_448 : vector<16xf32>
        %parallel_loop3A_461 = arith.minimumf %parallel_loop3A_446, %parallel_loop3A_450 : vector<16xf32>
        %parallel_loop3A_462 = arith.maximumf %parallel_loop3A_446, %parallel_loop3A_450 : vector<16xf32>
        %parallel_loop3A_463 = arith.minimumf %parallel_loop3A_436, %parallel_loop3A_451 : vector<16xf32>
        %parallel_loop3A_464 = arith.maximumf %parallel_loop3A_436, %parallel_loop3A_451 : vector<16xf32>
        %parallel_loop3A_465 = arith.minimumf %parallel_loop3A_438, %parallel_loop3A_453 : vector<16xf32>
        %parallel_loop3A_466 = arith.maximumf %parallel_loop3A_438, %parallel_loop3A_453 : vector<16xf32>
        %parallel_loop3A_467 = arith.minimumf %parallel_loop3A_455, %parallel_loop3A_457 : vector<16xf32>
        %parallel_loop3A_468 = arith.maximumf %parallel_loop3A_455, %parallel_loop3A_457 : vector<16xf32>
        %parallel_loop3A_469 = arith.minimumf %parallel_loop3A_456, %parallel_loop3A_458 : vector<16xf32>
        %parallel_loop3A_470 = arith.maximumf %parallel_loop3A_456, %parallel_loop3A_458 : vector<16xf32>
        %parallel_loop3A_471 = arith.minimumf %parallel_loop3A_459, %parallel_loop3A_461 : vector<16xf32>
        %parallel_loop3A_472 = arith.maximumf %parallel_loop3A_459, %parallel_loop3A_461 : vector<16xf32>
        %parallel_loop3A_473 = arith.minimumf %parallel_loop3A_460, %parallel_loop3A_462 : vector<16xf32>
        %parallel_loop3A_474 = arith.maximumf %parallel_loop3A_460, %parallel_loop3A_462 : vector<16xf32>
        %parallel_loop3A_475 = arith.minimumf %parallel_loop3A_463, %parallel_loop3A_465 : vector<16xf32>
        %parallel_loop3A_476 = arith.maximumf %parallel_loop3A_463, %parallel_loop3A_465 : vector<16xf32>
        %parallel_loop3A_477 = arith.minimumf %parallel_loop3A_464, %parallel_loop3A_466 : vector<16xf32>
        %parallel_loop3A_478 = arith.maximumf %parallel_loop3A_464, %parallel_loop3A_466 : vector<16xf32>
        %parallel_loop3A_479 = arith.minimumf %parallel_loop3A_452, %parallel_loop3A_454 : vector<16xf32>
        %parallel_loop3A_480 = arith.maximumf %parallel_loop3A_452, %parallel_loop3A_454 : vector<16xf32>
        %parallel_loop3A_481 = arith.constant dense<true> : vector<16xi1>
        %parallel_loop3A_482, %parallel_loop3A_483, %parallel_loop3A_484 = tpu.sort %parallel_loop3A_467, %parallel_loop3A_467 masked %parallel_loop3A_481 : (vector<16xf32>, vector<16xf32>, vector<16xi1>) -> (vector<16xi1>, vector<16xf32>, vector<16xf32>)
        %parallel_loop3A_485 = arith.constant dense<true> : vector<16xi1>
        %parallel_loop3A_486, %parallel_loop3A_487, %parallel_loop3A_488 = tpu.sort %parallel_loop3A_468, %parallel_loop3A_468 masked %parallel_loop3A_485 : (vector<16xf32>, vector<16xf32>, vector<16xi1>) -> (vector<16xi1>, vector<16xf32>, vector<16xf32>)
        %parallel_loop3A_489 = arith.constant dense<true> : vector<16xi1>
        %parallel_loop3A_490, %parallel_loop3A_491, %parallel_loop3A_492 = tpu.sort %parallel_loop3A_469, %parallel_loop3A_469 masked %parallel_loop3A_489 : (vector<16xf32>, vector<16xf32>, vector<16xi1>) -> (vector<16xi1>, vector<16xf32>, vector<16xf32>)
        %parallel_loop3A_493 = arith.constant dense<true> : vector<16xi1>
        %parallel_loop3A_494, %parallel_loop3A_495, %parallel_loop3A_496 = tpu.sort %parallel_loop3A_470, %parallel_loop3A_470 masked %parallel_loop3A_493 : (vector<16xf32>, vector<16xf32>, vector<16xi1>) -> (vector<16xi1>, vector<16xf32>, vector<16xf32>)
        %parallel_loop3A_497 = arith.constant dense<true> : vector<16xi1>
        %parallel_loop3A_498, %parallel_loop3A_499, %parallel_loop3A_500 = tpu.sort %parallel_loop3A_471, %parallel_loop3A_471 masked %parallel_loop3A_497 : (vector<16xf32>, vector<16xf32>, vector<16xi1>) -> (vector<16xi1>, vector<16xf32>, vector<16xf32>)
        %parallel_loop3A_501 = arith.constant dense<true> : vector<16xi1>
        %parallel_loop3A_502, %parallel_loop3A_503, %parallel_loop3A_504 = tpu.sort %parallel_loop3A_472, %parallel_loop3A_472 masked %parallel_loop3A_501 : (vector<16xf32>, vector<16xf32>, vector<16xi1>) -> (vector<16xi1>, vector<16xf32>, vector<16xf32>)
        %parallel_loop3A_505 = arith.constant dense<true> : vector<16xi1>
        %parallel_loop3A_506, %parallel_loop3A_507, %parallel_loop3A_508 = tpu.sort %parallel_loop3A_473, %parallel_loop3A_473 masked %parallel_loop3A_505 : (vector<16xf32>, vector<16xf32>, vector<16xi1>) -> (vector<16xi1>, vector<16xf32>, vector<16xf32>)
        %parallel_loop3A_509 = arith.constant dense<true> : vector<16xi1>
        %parallel_loop3A_510, %parallel_loop3A_511, %parallel_loop3A_512 = tpu.sort %parallel_loop3A_474, %parallel_loop3A_474 masked %parallel_loop3A_509 : (vector<16xf32>, vector<16xf32>, vector<16xi1>) -> (vector<16xi1>, vector<16xf32>, vector<16xf32>)
        %parallel_loop3A_513 = arith.constant dense<true> : vector<16xi1>
        %parallel_loop3A_514, %parallel_loop3A_515, %parallel_loop3A_516 = tpu.sort %parallel_loop3A_475, %parallel_loop3A_475 masked %parallel_loop3A_513 : (vector<16xf32>, vector<16xf32>, vector<16xi1>) -> (vector<16xi1>, vector<16xf32>, vector<16xf32>)
        %parallel_loop3A_517 = arith.constant dense<true> : vector<16xi1>
        %parallel_loop3A_518, %parallel_loop3A_519, %parallel_loop3A_520 = tpu.sort %parallel_loop3A_476, %parallel_loop3A_476 masked %parallel_loop3A_517 : (vector<16xf32>, vector<16xf32>, vector<16xi1>) -> (vector<16xi1>, vector<16xf32>, vector<16xf32>)
        %parallel_loop3A_521 = arith.constant dense<true> : vector<16xi1>
        %parallel_loop3A_522, %parallel_loop3A_523, %parallel_loop3A_524 = tpu.sort %parallel_loop3A_477, %parallel_loop3A_477 masked %parallel_loop3A_521 : (vector<16xf32>, vector<16xf32>, vector<16xi1>) -> (vector<16xi1>, vector<16xf32>, vector<16xf32>)
        %parallel_loop3A_525 = arith.constant dense<true> : vector<16xi1>
        %parallel_loop3A_526, %parallel_loop3A_527, %parallel_loop3A_528 = tpu.sort %parallel_loop3A_478, %parallel_loop3A_478 masked %parallel_loop3A_525 : (vector<16xf32>, vector<16xf32>, vector<16xi1>) -> (vector<16xi1>, vector<16xf32>, vector<16xf32>)
        %parallel_loop3A_529 = arith.constant dense<true> : vector<16xi1>
        %parallel_loop3A_530, %parallel_loop3A_531, %parallel_loop3A_532 = tpu.sort %parallel_loop3A_479, %parallel_loop3A_479 masked %parallel_loop3A_529 : (vector<16xf32>, vector<16xf32>, vector<16xi1>) -> (vector<16xi1>, vector<16xf32>, vector<16xf32>)
        %parallel_loop3A_533 = arith.constant dense<true> : vector<16xi1>
        %parallel_loop3A_534, %parallel_loop3A_535, %parallel_loop3A_536 = tpu.sort %parallel_loop3A_480, %parallel_loop3A_480 masked %parallel_loop3A_533 : (vector<16xf32>, vector<16xf32>, vector<16xi1>) -> (vector<16xi1>, vector<16xf32>, vector<16xf32>)
        %parallel_loop3A_537 = arith.index_cast %parallel_loop3A_86 : i32 to index
        %parallel_loop3A_538 = arith.constant 0 : index
        %parallel_loop3A_539 = tpu.vector_load %arg7[%parallel_loop3A_537, %parallel_loop3A_538] {strides = array<i32>} : memref<64x224xf32, #tpu.memory_space<vmem>>, vector<16xf32>,
        tpu.vector_store %arg7[%parallel_loop3A_537, %parallel_loop3A_538], %parallel_loop3A_483 {strides = array<i32>} : memref<64x224xf32, #tpu.memory_space<vmem>>, vector<16xf32>,
        %parallel_loop3A_540 = arith.index_cast %parallel_loop3A_86 : i32 to index
        %parallel_loop3A_541 = arith.constant 16 : index
        %parallel_loop3A_542 = tpu.vector_load %arg7[%parallel_loop3A_540, %parallel_loop3A_541] {strides = array<i32>} : memref<64x224xf32, #tpu.memory_space<vmem>>, vector<16xf32>,
        tpu.vector_store %arg7[%parallel_loop3A_540, %parallel_loop3A_541], %parallel_loop3A_487 {strides = array<i32>} : memref<64x224xf32, #tpu.memory_space<vmem>>, vector<16xf32>,
        %parallel_loop3A_543 = arith.index_cast %parallel_loop3A_86 : i32 to index
        %parallel_loop3A_544 = arith.constant 32 : index
        %parallel_loop3A_545 = tpu.vector_load %arg7[%parallel_loop3A_543, %parallel_loop3A_544] {strides = array<i32>} : memref<64x224xf32, #tpu.memory_space<vmem>>, vector<16xf32>,
        tpu.vector_store %arg7[%parallel_loop3A_543, %parallel_loop3A_544], %parallel_loop3A_491 {strides = array<i32>} : memref<64x224xf32, #tpu.memory_space<vmem>>, vector<16xf32>,
        %parallel_loop3A_546 = arith.index_cast %parallel_loop3A_86 : i32 to index
        %parallel_loop3A_547 = arith.constant 48 : index
        %parallel_loop3A_548 = tpu.vector_load %arg7[%parallel_loop3A_546, %parallel_loop3A_547] {strides = array<i32>} : memref<64x224xf32, #tpu.memory_space<vmem>>, vector<16xf32>,
        tpu.vector_store %arg7[%parallel_loop3A_546, %parallel_loop3A_547], %parallel_loop3A_495 {strides = array<i32>} : memref<64x224xf32, #tpu.memory_space<vmem>>, vector<16xf32>,
        %parallel_loop3A_549 = arith.index_cast %parallel_loop3A_86 : i32 to index
        %parallel_loop3A_550 = arith.constant 64 : index
        %parallel_loop3A_551 = tpu.vector_load %arg7[%parallel_loop3A_549, %parallel_loop3A_550] {strides = array<i32>} : memref<64x224xf32, #tpu.memory_space<vmem>>, vector<16xf32>,
        tpu.vector_store %arg7[%parallel_loop3A_549, %parallel_loop3A_550], %parallel_loop3A_499 {strides = array<i32>} : memref<64x224xf32, #tpu.memory_space<vmem>>, vector<16xf32>,
        %parallel_loop3A_552 = arith.index_cast %parallel_loop3A_86 : i32 to index
        %parallel_loop3A_553 = arith.constant 80 : index
        %parallel_loop3A_554 = tpu.vector_load %arg7[%parallel_loop3A_552, %parallel_loop3A_553] {strides = array<i32>} : memref<64x224xf32, #tpu.memory_space<vmem>>, vector<16xf32>,
        tpu.vector_store %arg7[%parallel_loop3A_552, %parallel_loop3A_553], %parallel_loop3A_503 {strides = array<i32>} : memref<64x224xf32, #tpu.memory_space<vmem>>, vector<16xf32>,
        %parallel_loop3A_555 = arith.index_cast %parallel_loop3A_86 : i32 to index
        %parallel_loop3A_556 = arith.constant 96 : index
        %parallel_loop3A_557 = tpu.vector_load %arg7[%parallel_loop3A_555, %parallel_loop3A_556] {strides = array<i32>} : memref<64x224xf32, #tpu.memory_space<vmem>>, vector<16xf32>,
        tpu.vector_store %arg7[%parallel_loop3A_555, %parallel_loop3A_556], %parallel_loop3A_507 {strides = array<i32>} : memref<64x224xf32, #tpu.memory_space<vmem>>, vector<16xf32>,
        %parallel_loop3A_558 = arith.index_cast %parallel_loop3A_86 : i32 to index
        %parallel_loop3A_559 = arith.constant 112 : index
        %parallel_loop3A_560 = tpu.vector_load %arg7[%parallel_loop3A_558, %parallel_loop3A_559] {strides = array<i32>} : memref<64x224xf32, #tpu.memory_space<vmem>>, vector<16xf32>,
        tpu.vector_store %arg7[%parallel_loop3A_558, %parallel_loop3A_559], %parallel_loop3A_511 {strides = array<i32>} : memref<64x224xf32, #tpu.memory_space<vmem>>, vector<16xf32>,
        %parallel_loop3A_561 = arith.index_cast %parallel_loop3A_86 : i32 to index
        %parallel_loop3A_562 = arith.constant 128 : index
        %parallel_loop3A_563 = tpu.vector_load %arg7[%parallel_loop3A_561, %parallel_loop3A_562] {strides = array<i32>} : memref<64x224xf32, #tpu.memory_space<vmem>>, vector<16xf32>,
        tpu.vector_store %arg7[%parallel_loop3A_561, %parallel_loop3A_562], %parallel_loop3A_515 {strides = array<i32>} : memref<64x224xf32, #tpu.memory_space<vmem>>, vector<16xf32>,
        %parallel_loop3A_564 = arith.index_cast %parallel_loop3A_86 : i32 to index
        %parallel_loop3A_565 = arith.constant 144 : index
        %parallel_loop3A_566 = tpu.vector_load %arg7[%parallel_loop3A_564, %parallel_loop3A_565] {strides = array<i32>} : memref<64x224xf32, #tpu.memory_space<vmem>>, vector<16xf32>,
        tpu.vector_store %arg7[%parallel_loop3A_564, %parallel_loop3A_565], %parallel_loop3A_519 {strides = array<i32>} : memref<64x224xf32, #tpu.memory_space<vmem>>, vector<16xf32>,
        %parallel_loop3A_567 = arith.index_cast %parallel_loop3A_86 : i32 to index
        %parallel_loop3A_568 = arith.constant 160 : index
        %parallel_loop3A_569 = tpu.vector_load %arg7[%parallel_loop3A_567, %parallel_loop3A_568] {strides = array<i32>} : memref<64x224xf32, #tpu.memory_space<vmem>>, vector<16xf32>,
        tpu.vector_store %arg7[%parallel_loop3A_567, %parallel_loop3A_568], %parallel_loop3A_523 {strides = array<i32>} : memref<64x224xf32, #tpu.memory_space<vmem>>, vector<16xf32>,
        %parallel_loop3A_570 = arith.index_cast %parallel_loop3A_86 : i32 to index
        %parallel_loop3A_571 = arith.constant 176 : index
        %parallel_loop3A_572 = tpu.vector_load %arg7[%parallel_loop3A_570, %parallel_loop3A_571] {strides = array<i32>} : memref<64x224xf32, #tpu.memory_space<vmem>>, vector<16xf32>,
        tpu.vector_store %arg7[%parallel_loop3A_570, %parallel_loop3A_571], %parallel_loop3A_527 {strides = array<i32>} : memref<64x224xf32, #tpu.memory_space<vmem>>, vector<16xf32>,
        %parallel_loop3A_573 = arith.index_cast %parallel_loop3A_86 : i32 to index
        %parallel_loop3A_574 = arith.constant 192 : index
        %parallel_loop3A_575 = tpu.vector_load %arg7[%parallel_loop3A_573, %parallel_loop3A_574] {strides = array<i32>} : memref<64x224xf32, #tpu.memory_space<vmem>>, vector<16xf32>,
        tpu.vector_store %arg7[%parallel_loop3A_573, %parallel_loop3A_574], %parallel_loop3A_531 {strides = array<i32>} : memref<64x224xf32, #tpu.memory_space<vmem>>, vector<16xf32>,
        %parallel_loop3A_576 = arith.index_cast %parallel_loop3A_86 : i32 to index
        %parallel_loop3A_577 = arith.constant 208 : index
        %parallel_loop3A_578 = tpu.vector_load %arg7[%parallel_loop3A_576, %parallel_loop3A_577] {strides = array<i32>} : memref<64x224xf32, #tpu.memory_space<vmem>>, vector<16xf32>,
        tpu.vector_store %arg7[%parallel_loop3A_576, %parallel_loop3A_577], %parallel_loop3A_535 {strides = array<i32>} : memref<64x224xf32, #tpu.memory_space<vmem>>, vector<16xf32>,
      } {sc.loop_unroll_factor = 1 : i64, sc.parallel_access}
      %mul3A_79 = arith.constant 64 : i32
      %mul3A_80 = arith.muli %add3A_56, %mul3A_79 : i32
      %add3A_81 = arith.addi %mul3A_2, %mul3A_80 : i32
      %dma_start3A_82 = arith.constant 0 : i32
      %dma_start3A_83 = tpu.memref_slice %arg3[%add3A_81, %dma_start3A_82] : memref<172032x224xf32, #tpu.memory_space<hbm>> -> memref<64x224xf32, #tpu.memory_space<hbm>>
      %dma_start3A_84 = arith.constant 0 : i32
      %dma_start3A_85 = tpu.memref_slice %arg3[%add3A_81, %dma_start3A_84] : memref<172032x224xf32, #tpu.memory_space<hbm>> -> memref<64x224xf32, #tpu.memory_space<hbm>>
      tpu.enqueue_dma source(%arg7 : memref<64x224xf32, #tpu.memory_space<vmem>>) target(%dma_start3A_85 : memref<64x224xf32, #tpu.memory_space<hbm>>) target_semaphore(%arg11 : memref<!tpu.dma_semaphore, #tpu.memory_space<semaphore_mem>>)
    }
    %scan3A_12 = arith.constant 42 : i32
    %add3A_13 = arith.constant 5248 : i32
    %add3A_14 = arith.addi %mul3A_2, %add3A_13 : i32
    %dma_wait3A = arith.constant 0 : i32
    %dma_wait3A_15 = tpu.memref_slice %arg3[%add3A_14, %dma_wait3A] : memref<172032x224xf32, #tpu.memory_space<hbm>> -> memref<64x224xf32, #tpu.memory_space<hbm>>
    %dma_wait3A_16 = arith.constant 0 : i32
    %dma_wait3A_17 = tpu.memref_slice %arg3[%add3A_14, %dma_wait3A_16] : memref<172032x224xf32, #tpu.memory_space<hbm>> -> memref<64x224xf32, #tpu.memory_space<hbm>>
    tpu.wait_dma2 semaphore(%arg10 : memref<!tpu.dma_semaphore, #tpu.memory_space<semaphore_mem>>) src(%arg6 : memref<64x224xf32, #tpu.memory_space<vmem>>) dst(%dma_wait3A_17 : memref<64x224xf32, #tpu.memory_space<hbm>>)
    %add3A_18 = arith.constant 5312 : i32
    %add3A_19 = arith.addi %mul3A_2, %add3A_18 : i32
    %dma_wait3A_20 = arith.constant 0 : i32
    %dma_wait3A_21 = tpu.memref_slice %arg3[%add3A_19, %dma_wait3A_20] : memref<172032x224xf32, #tpu.memory_space<hbm>> -> memref<64x224xf32, #tpu.memory_space<hbm>>
    %dma_wait3A_22 = arith.constant 0 : i32
    %dma_wait3A_23 = tpu.memref_slice %arg3[%add3A_19, %dma_wait3A_22] : memref<172032x224xf32, #tpu.memory_space<hbm>> -> memref<64x224xf32, #tpu.memory_space<hbm>>
    tpu.wait_dma2 semaphore(%arg11 : memref<!tpu.dma_semaphore, #tpu.memory_space<semaphore_mem>>) src(%arg7 : memref<64x224xf32, #tpu.memory_space<vmem>>) dst(%dma_wait3A_23 : memref<64x224xf32, #tpu.memory_space<hbm>>)
    return
  }
}

</mosaic_0001>

<sc_bundles>
// kernel: kernel.3.cloned.1.call-start
scs
__scs_entry_jumppad:
0x0: {  	(pc) =	sbr.rel $0x88, $3  }
0x1: {  	(tag) =	ssettag $0x0;
	lr =	simm.s32 $0x1  }
0x2: {  	[smem:$0x3FA0] =	sst lr;
	_ =	strace $0xD0000000  }
0x3: {  	_ = 	snop  }
0x4: {  	_ = 	snop  }
0x5: {  	_ = 	snop  }
0x6: {  	_ = 	snop  }
0x7: {  	_ = 	snop  }
__scs_overlays_trampoline_lowered:
0x8: {  	[smem:$0x3FAF] =	sst s0  }
0x9: {  	[smem:$0x3FB0] =	sst s1  }
0xa: {  	[smem:$0x3FB1] =	sst s2  }
0xb: {  	[smem:$0x3FB2] =	sst s3  }
0xc: {  	[smem:$0x3FB3] =	sst s4  }
0xd: {  	[smem:$0x3FB4] =	sst s5  }
0xe: {  	[smem:$0x3FB5] =	sst s6  }
0xf: {  	[smem:$0x3FB6] =	sst s7  }
0x10: {  	[smem:$0x3FB7] =	sst s8  }
0x11: {  	[smem:$0x3FB8] =	sst s9;
	s0 =	simm.s32 @!p0 $0x0  }
0x12: {  	s1 =	sld [smem:$0x3F9E];
	s0 =	simm.s32 @p0 $0x1  }
0x13: {  	[smem:$0x3FB9] =	sst s0;
	s0 =	simm.s32 @!p1 $0x0  }
0x14: {  	s2 =	sld [smem:$0x3F9D];
	s0 =	simm.s32 @p1 $0x1  }
0x15: {  	[smem:$0x3FBA] =	sst s0;
	s0 =	simm.s32 @!p2 $0x0  }
0x16: {  	s3 =	sld [smem:$0x3FDB];
	s0 =	simm.s32 @p2 $0x1  }
0x17: {  	s4 =	simm.s32 $0x1BF5;
	[smem:$0x3FBC] =	sst s0  }
0x18: {  	s0 =	sld [smem:$0x3F9F];
	_ =	swait.ge [sflag:s4], $0x0  }
0x19: {  	s7 =	sld [smem:$0x3FA0]  }
0x1a: {  	s8 =	sadd.s32 $0xFFFFE003, lr  }
0x1b: {  	s9 =	sadd.s32 $0xFFFFFEF7, lr;
	s5 =	simm.s32 $0xFFFFFFFF;
	p2 =	slt.u32 s8, $0xFFFFF086  }
0x1c: {  	p1 =	slt.u32 s9, $0xF7A;
	s5 =	simm.s32 @!p2 $0x0  }
0x1d: {  	s5 =	simm.s32 @p1 $0x1;
	p0 =	seq.s32 s7, s2  }
0x1e: {  	s7 =	smul.u32 @!p0 $0xF7A, s2;
	p2 =	seq.s32 @!p0 s5, $0x0  }
0x1f: {  	s9 =	smul.u32 $0xF7A, s1;
	s8 =	simm.s32 @!p0 $0x1BF5;
	p2 =	por !p2, p0  }
0x20: {  	[sflag:s8] =	ssyncset.s32 @!p0 $0xFFFFF086;
	s6 =	sadd.s32 @!p0 s3, s7;
	s7 =	simm.s32 @!p0 $0x108  }
0x21: {  	s3 =	sadd.s32 s3, s9;
	s6 =	sadd.s32 @!p0 $0x88, s6;
	s7 =	simm.s32 @p2 $0x1082  }
0x22: {  	[simem:s7], [sflag:s8] =	dma.local @!p0 [hbm:s6], $0xF7A  }
0x23: {  	s9 =	sor.u32 $0xD0000000, s2;
	s6 =	simm.s32 $0x108;
	_ =	swait.ge @!p0 [sflag:s8], $0x0  }
0x24: {  	s3 =	sadd.s32 $0x88, s3;
	s6 =	simm.s32 @!p1 $0x1082;
	[sflag:s4] =	ssyncset.s32 $0xFFFFF086  }
0x25: {  	[simem:s6], [sflag:s4] =	dma.local [hbm:s3], $0xF7A  }
0x26: {  	[smem:$0x3FA0] =	sst s1;
	(tag) =	ssettag s2;
	_ =	strace s9  }
0x27: {  	s1 =	sld [smem:$0x3FB0]  }
0x28: {  	s2 =	sld [smem:$0x3FB1]  }
0x29: {  	s4 =	sld [smem:$0x3FB3]  }
0x2a: {  	p0 =	seq.s32 s5, $0x0;
	s5 =	sld [smem:$0x3FB4]  }
0x2b: {  	s6 =	sld [smem:$0x3FB5]  }
0x2c: {  	s7 =	sld [smem:$0x3FB6]  }
0x2d: {  	s3 =	simm.s32 $0x108;
	s8 =	sld [smem:$0x3FB7]  }
0x2e: {  	s3 =	simm.s32 @!p0 $0x1082;
	s9 =	sld [smem:$0x3FB8]  }
0x2f: {  	lr =	sadd.s32 s0, s3;
	s0 =	sld [smem:$0x3FAF]  }
0x30: {  	s3 =	sld [smem:$0x3FB2]  }
0x31: {  	[smem:$0x3FBB] =	sst s10  }
0x32: {  	s10 =	sld [smem:$0x3FB9];
	_ =	sdelay $0x3  }
0x33: {  	p0 =	seq.s32 s10, $0x1;
	s10 =	sld [smem:$0x3FBB];
	_ =	sdelay $0x3  }
0x34: {  	[smem:$0x3FBB] =	sst s10  }
0x35: {  	s10 =	sld [smem:$0x3FBA];
	_ =	sdelay $0x3  }
0x36: {  	p1 =	seq.s32 s10, $0x1;
	s10 =	sld [smem:$0x3FBB];
	_ =	sdelay $0x3  }
0x37: {  	[smem:$0x3FBB] =	sst s10  }
0x38: {  	s10 =	sld [smem:$0x3FBC]  }
0x39: {  	_ = 	snop;
	(pc) =	sbr.ind lr, $3  }
0x3a: {  	_ = 	snop  }
0x3b: {  	_ = 	snop  }
0x3c: {  	p2 =	seq.s32 s10, $0x1;
	s10 =	sld [smem:$0x3FBB]  }
0x3d: {  	_ =	shalt  }
0x3e: {  	_ =	shalt  }
0x3f: {  	_ =	shalt  }
0x40: {  	_ =	shalt  }
0x41: {  	_ =	shalt  }
0x42: {  	_ =	shalt  }
0x43: {  	_ =	shalt  }
0x44: {  	_ =	shalt  }
0x45: {  	_ =	shalt  }
0x46: {  	_ =	shalt  }
0x47: {  	_ =	shalt  }
0x48: {  	_ =	shalt  }
0x49: {  	_ =	shalt  }
0x4a: {  	_ =	shalt  }
0x4b: {  	_ =	shalt  }
0x4c: {  	_ =	shalt  }
0x4d: {  	_ =	shalt  }
0x4e: {  	_ =	shalt  }
0x4f: {  	_ =	shalt  }
0x50: {  	_ =	shalt  }
0x51: {  	_ =	shalt  }
0x52: {  	_ =	shalt  }
0x53: {  	_ =	shalt  }
0x54: {  	_ =	shalt  }
0x55: {  	_ =	shalt  }
0x56: {  	_ =	shalt  }
0x57: {  	_ =	shalt  }
0x58: {  	_ =	shalt  }
0x59: {  	_ =	shalt  }
0x5a: {  	_ =	shalt  }
0x5b: {  	_ =	shalt  }
0x5c: {  	_ =	shalt  }
0x5d: {  	_ =	shalt  }
0x5e: {  	_ =	shalt  }
0x5f: {  	_ =	shalt  }
0x60: {  	_ =	shalt  }
0x61: {  	_ =	shalt  }
0x62: {  	_ =	shalt  }
0x63: {  	_ =	shalt  }
0x64: {  	_ =	shalt  }
0x65: {  	_ =	shalt  }
0x66: {  	_ =	shalt  }
0x67: {  	_ =	shalt  }
0x68: {  	_ =	shalt  }
0x69: {  	_ =	shalt  }
0x6a: {  	_ =	shalt  }
0x6b: {  	_ =	shalt  }
0x6c: {  	_ =	shalt  }
0x6d: {  	_ =	shalt  }
0x6e: {  	_ =	shalt  }
0x6f: {  	_ =	shalt  }
0x70: {  	_ =	shalt  }
0x71: {  	_ =	shalt  }
0x72: {  	_ =	shalt  }
0x73: {  	_ =	shalt  }
0x74: {  	_ =	shalt  }
0x75: {  	_ =	shalt  }
0x76: {  	_ =	shalt  }
0x77: {  	_ =	shalt  }
0x78: {  	_ =	shalt  }
0x79: {  	_ =	shalt  }
0x7a: {  	_ =	shalt  }
0x7b: {  	_ =	shalt  }
0x7c: {  	_ =	shalt  }
0x7d: {  	_ =	shalt  }
0x7e: {  	_ =	shalt  }
0x7f: {  	_ =	shalt  }
0x80: {  	_ =	shalt  }
0x81: {  	_ =	shalt  }
0x82: {  	_ =	shalt  }
0x83: {  	_ =	shalt  }
0x84: {  	_ =	shalt  }
0x85: {  	_ =	shalt  }
0x86: {  	_ =	shalt  }
0x87: {  	_ =	shalt  }
.Lfunc_end0:
.L_simem_size_0:
called_computation_lowered:
.L_overlay_start_0:
0x88: {  	s2 =	sld [smem:$0x3FD9]  }
0x89: {  	s3 =	sld [smem:$0x3FFE];
	_ =	sdelay $0x1  }
0x8a: {  	s1 =	srdreg.scid  }
0x8b: {  	s0 =	sand.u32 $0x1, s1  }
0x8c: {  	s18 =	sshll.u32 s0, $0xA;
	s2 =	sadd.s32 s3, s2  }
0x8d: {  	s2 =	sadd.s32 s2, s18  }
0x8e: {  	[smem:$0x3FC7] =	sst s2  }
0x8f: {  	_ = 	snop  }
0x90: {  	s2 =	sld [smem:$0x3FC9]  }
0x91: {  	s19 =	sld [smem:$0x3FD0];
	(tm) =	ssettm $0x1  }
0x92: {  	s4 =	sld [smem:$0x3FFB];
	_ =	sdelay $0x3  }
0x93: {  	_ =	strace s4  }
0x94: {  	s4 =	sld [smem:$0x3FFC];
	_ =	sdelay $0x3  }
0x95: {  	_ =	strace s4  }
0x96: {  	s4 =	sld [smem:$0x3FFD];
	_ =	sdelay $0x3  }
0x97: {  	_ =	strace s4  }
0x98: {  	_ =	strace $0x8FFFFFFF  }
0x99: {  	s20 =	sld [smem:$0x3FDB];
	_ =	sdelay $0x1  }
0x9a: {  	s5 =	simm.s32 $_scs_section_size  }
0x9b: {  	s6 =	simm.s32 $_size__tile_overlayer_lowered;
	s7 =	simm.s32 $_tile_overlayer_lowered  }
0x9c: {  	s23 =	simm.s32 $0x1BFF;
	s22 =	sshll.u32 s7, $0x1;
	s4 =	sadd.s32 s5, s20  }
0x9d: {  	s8 =	simm.s32 $0x0;
	s21 =	sshll.u32 s6, $0x1;
	s6 =	sadd.s32 s22, s4  }
0x9e: {  	[timem:s8], [sflag:s23] =	dma.local [hbm:s6], s21  }
0x9f: {  	_ =	swait.ge [sflag:s23], s21  }
0xa0: {  	s5 =	ssub.s32 $0x0, s21;
	[sflag:s23] =	ssyncset.done $0x0  }
0xa1: {  	[sflag:s23] =	ssyncadd.s32 s5;
	_ =	sdelay $0x1  }
0xa2: {  	s24 =	simm.s32 $0x1B8B  }
0xa3: {  	_ =	swait.ge [sflag:s24], $0x1  }
0xa4: {  	[sflag:s24] =	ssyncset.done $0x0  }
0xa5: {  	s25 =	simm.s32 $0x1B8E;
	[sflag:s24] =	ssyncadd.s32 $0xFFFFFFFF  }
0xa6: {  	s26 =	simm.s32 $execute0_lowered;
	[smem:$0x3FD2] =	sst s25  }
0xa7: {  	s5 =	sshll.u32 s26, $0x1;
	_ =	strace $0x80000046;
	[dreg:$0x1] =	wrdreg $0xFFFFFFFF  }
0xa8: {  	s28 =	simm.s32 $_size_execute0_lowered;
	s4 =	sadd.s32 s4, s5;
	[dreg:$0x0] =	wrdreg $0x0  }
0xa9: {  	s5 =	sshll.u32 s28, $0x1;
	[dreg:$0x2] =	wrdreg s4  }
0xaa: {  	[dreg:$0x3] =	wrdreg s5  }
0xab: {  	[dreg:$0x4] =	wrdreg $0xC0  }
0xac: {  	_ =	task [dreg:s8], $0x5FFFF  }
0xad: {  	[dreg:$0x1] =	wrdreg $0xFFFFFFFF  }
0xae: {  	[dreg:$0x0] =	wrdreg $0x60  }
0xaf: {  	[dreg:$0x2] =	wrdreg s2  }
0xb0: {  	[dreg:$0x3] =	wrdreg s19  }
0xb1: {  	[dreg:$0x4] =	wrdreg $0x9  }
0xb2: {  	_ =	task.clear_ibuf [dreg:s8], $0x5FFFF;
	_ =	strace $0x90000046  }
0xb3: {  	s29 =	simm.s32 $0x9;
	_ =	strace $0x80000048  }
0xb4: {  	_ =	swait.ge [sflag:s29], $0x1  }
0xb5: {  	[sflag:s29] =	ssyncadd.s32 $0xFFFFFFFF  }
0xb6: {  	_ =	strace $0x90000048  }
0xb7: {  	_ =	sfence  }
0xb8: {  	s30 =	sld [smem:$0x0];
	_ =	sdelay $0x2  }
0xb9: {  	s31 =	sshll.u32 s1, $0xD;
	s1 =	sshrl.u32 s1, $0x2  }
0xba: {  	s3 =	sand.u32 $0x4000, s31;
	s1 =	sadd.s32 s1, s30  }
0xbb: {  	s0 =	sor.u32 s3, s0;
	s1 =	sshll.u32 s1, $0x11  }
0xbc: {  	s0 =	sor.u32 s1, s0  }
0xbd: {  	s0 =	sadd.s32 $0x8F2B, s0  }
0xbe: {  	[sflag:s0] =	ssyncadd.remote.s32 $0x1  }
0xbf: {  	_ =	sfence.sel $0xFFFF  }
0xc0: {  	[dreg:$0x0] =	wrdreg $0xFFFFFFFF;
	(pc) =	sbr.abs _section_cstart, $3  }
0xc1: {  	[dreg:$0x1] =	wrdreg $0xFFFFFFFF  }
0xc2: {  	_ =	task.clear_ibuf [dreg:s8], $0x2FFFF;
	_ =	strace $0x9FFFFFFF  }
0xc3: {  	(tm) =	ssettm $0x7FFFFFFF  }
tec
execute0_lowered:
.L_overlay_start_1:
0x0: {  	(tag) =	ssettag $0x1  }
0x1: {  	s2 =	rddreg [dreg:$0x0];
	s1 =	srdreg.scid  }
0x2: {  	s0 =	stileid.u32;
	s3 =	rddreg [dreg:$0x1]  }
0x3: {  	s10 =	simm.s32 $0x4000;
	s11 =	simm.s32 $0x1;
	s12 =	simm.s32 $0x8000  }
0x4: {  	s13 =	simm.s32 $0x2;
	s14 =	simm.s32 $0x4;
	s15 =	simm.s32 $0xC000  }
0x5: {  	s16 =	simm.s32 $0x3;
	s5 =	sand.u32 $0x1, s1;
	s4 =	sshll.u32 s0, $0x1  }
0x6: {  	s17 =	simm.s32 $0x0;
	s1 =	rddreg [dreg:$0x2];
	s6 =	sor.u32 s5, s4  }
0x7: {  	s4 =	simm.s32 $0x0;
	s7 =	ssub.s32 $0x2, s5;
	s8 =	smul.u32 $0x2A000, s6  }
0x8: {  	[smem:$0x7FF] =	sst s4;
	s9 =	sshrl.u32 s7, $0x1;
	s5 =	smul.u32 $0x150000, s6  }
0x9: {  	_ =	strace $0x80000047;
	s9 =	ssub.s32 s7, s9;
	s6 =	sadd.s32 s2, s8  }
0xa: {  	s7 =	sor.u32 $0x4000, s5;
	s8 =	sor.u32 $0x8000, s5;
	s9 =	smax.u32 s9, $0x1  }
.LBB2_1:
0xb: {  	[tilespmem:s4], [sflag:$0x1] =	stream.linear.gather [hbm4b:s6+s4], $0x4000, $0x38;
	[tilespmem:$0x10000] =	vst v63  }
0xc: {  	s18 =	simm.s32 $0x0  }
.LBB2_2:
0xd: {  	s20 =	sshll.u32 s18, $0xF  }
0xe: {  	s19 =	sadd.s32 s20, s7  }
0xf: {  	s19 =	sshrl.u32 s19, $0x3  }
0x10: {  	s21 =	sadd.s32 s2, s19  }
0x11: {  	[tilespmem:s10], [sflag:$0x2] =	stream.linear.gather [hbm4b:s21+s4], $0x4000, $0x38;
	[tilespmem:$0x10000] =	vst v63  }
0x12: {  	_ =	swait.ge [sflag:s11], $0x4000  }
0x13: {  	p0 =	seq.s32 s18, $0x0;
	[sflag:s11] =	ssyncset.done $0x0  }
0x14: {  	s21 =	simm.s32 @!p0 $0x3;
	[sflag:s11] =	ssyncadd.s32 $0xFFFFC000  }
0x15: {  	s22 =	simm.s32 $0x0;
	_ =	swait.ge @!p0 [sflag:s21], $0x4000  }
0x16: {  	s23 =	sand.u32 $0x3800, s22;
	s22 =	sand.u32 $0x380, s22;
	[sflag:s21] =	ssyncset.done @!p0 $0x0  }
0x17: {  	[sflag:s21] =	ssyncadd.s32 @!p0 $0xFFFFC000;
	s21 =	sor.u32 s22, s23  }
0x18: {  	v0 =	vld [tilespmem:s21+$0x440]  }
0x19: {  	v1 =	vld [tilespmem:s21+$0x450]  }
0x1a: {  	v2 =	vld [tilespmem:s21+$0x0]  }
0x1b: {  	v3 =	vld [tilespmem:s21+$0x10];
	_ =	sdelay $0x1  }
0x1c: {  	v4 =	vld [tilespmem:s21+$0x20];
	(xrf1) =	vsort.ascd.msk.f32 $0xffff, v0, v0  }
0x1d: {  	v5 =	vld [tilespmem:s21+$0x30];
	(xrf1) =	vsort.dscd.msk.f32 $0xffff, v1, v1  }
0x1e: {  	v0 =	vld [tilespmem:s21+$0x40];
	(xrf1) =	vsort.ascd.msk.f32 $0xffff, v2, v2  }
0x1f: {  	v1 =	vld [tilespmem:s21+$0x50];
	(xrf1) =	vsort.dscd.msk.f32 $0xffff, v3, v3  }
0x20: {  	v2 =	vld [tilespmem:s21+$0x60]  }
0x21: {  	v3 =	vld [tilespmem:s21+$0x70];
	(xrf1) =	vsort.ascd.msk.f32 $0xffff, v4, v4  }
0x22: {  	v4 =	vld [tilespmem:s21+$0x400];
	(xrf1) =	vsort.dscd.msk.f32 $0xffff, v5, v5  }
0x23: {  	v5 =	vld [tilespmem:s21+$0x410];
	(xrf1) =	vsort.ascd.msk.f32 $0xffff, v0, v0  }
0x24: {  	v0 =	vld [tilespmem:s21+$0x420];
	(xrf1) =	vsort.dscd.msk.f32 $0xffff, v1, v1  }
0x25: {  	v1 =	vld [tilespmem:s21+$0x430];
	(xrf1) =	vsort.ascd.msk.f32 $0xffff, v2, v2  }
0x26: {  	(xrf1) =	vsort.dscd.msk.f32 $0xffff, v3, v3  }
0x27: {  	(xrf1) =	vsort.ascd.msk.f32 $0xffff, v4, v4  }
0x28: {  	(xrf1) =	vsort.dscd.msk.f32 $0xffff, v5, v5  }
0x29: {  	(xrf1) =	vsort.ascd.msk.f32 $0xffff, v0, v0  }
0x2a: {  	(xrf1) =	vsort.dscd.msk.f32 $0xffff, v1, v1;
	v0, _, _ =	vpop (xrf1)  }
0x2b: {  	v1, _, _ =	vpop (xrf1)  }
0x2c: {  	v2, _, _ =	vpop (xrf1)  }
0x2d: {  	v3 =	vmin.f32 v0, v1;
	v0 =	vmax.f32 v0, v1;
	v4, _, _ =	vpop (xrf1)  }
0x2e: {  	(xrf1) =	vsort.ascd.msk.f32 $0xffff, v3, v3;
	v3 =	vmin.f32 v2, v4  }
0x2f: {  	v1, _, _ =	vpop (xrf1);
	(xrf1) =	vsort.ascd.msk.f32 $0xffff, v0, v0;
	v2 =	vmax.f32 v2, v4  }
0x30: {  	v0, _, _ =	vpop (xrf1);
	(xrf1) =	vsort.ascd.msk.f32 $0xffff, v3, v3  }
0x31: {  	v4 =	vmax.f32 v1, v0;
	v0 =	vmin.f32 v1, v0;
	v3, _, _ =	vpop (xrf1);
	(xrf1) =	vsort.ascd.msk.f32 $0xffff, v2, v2  }
0x32: {  	v2, _, _ =	vpop (xrf1);
	(xrf1) =	vsort.dscd.msk.f32 $0xffff, v4, v4  }
0x33: {  	v1, _, _ =	vpop (xrf1);
	v4 =	vmin.f32 v3, v2;
	(xrf1) =	vsort.dscd.msk.f32 $0xffff, v0, v0;
	v2 =	vmax.f32 v3, v2  }
0x34: {  	v0, _, _ =	vpop (xrf1);
	(xrf1) =	vsort.ascd.msk.f32 $0xffff, v4, v4  }
0x35: {  	v3, _, _ =	vpop (xrf1);
	v4 =	vmax.f32 v1, v0;
	(xrf1) =	vsort.ascd.msk.f32 $0xffff, v2, v2  }
0x36: {  	v0 =	vmin.f32 v1, v0;
	v2, _, _ =	vpop (xrf1);
	(xrf1) =	vsort.dscd.msk.f32 $0xffff, v4, v4  }
0x37: {  	v1, _, _ =	vpop (xrf1);
	v4 =	vmin.f32 v3, v2;
	(xrf1) =	vsort.dscd.msk.f32 $0xffff, v0, v0  }
0x38: {  	v0 =	vmax.f32 v3, v2;
	v2, _, _ =	vpop (xrf1);
	(xrf1) =	vsort.ascd.msk.f32 $0xffff, v4, v4  }
0x39: {  	v3 =	vmax.f32 v1, v2;
	(xrf1) =	vsort.ascd.msk.f32 $0xffff, v0, v0;
	v0 =	vmin.f32 v1, v2  }
0x3a: {  	(xrf1) =	vsort.dscd.msk.f32 $0xffff, v3, v3  }
0x3b: {  	(xrf1) =	vsort.dscd.msk.f32 $0xffff, v0, v0  }
0x3c: {  	v0, _, _ =	vpop (xrf1)  }
0x3d: {  	v1, _, _ =	vpop (xrf1)  }
0x3e: {  	v2, _, _ =	vpop (xrf1)  }
0x3f: {  	v3, _, _ =	vpop (xrf1)  }
0x40: {  	v4, _, _ =	vpop (xrf1)  }
0x41: {  	v5, _, _ =	vpop (xrf1)  }
0x42: {  	v7 =	vmin.f32 v0, v1;
	v0 =	vmax.f32 v0, v1;
	v6, _, _ =	vpop (xrf1)  }
0x43: {  	(xrf1) =	vsort.dscd.msk.f32 $0xffff, v0, v0;
	v1, _, _ =	vpop (xrf1)  }
0x44: {  	(xrf1) =	vsort.dscd.msk.f32 $0xffff, v7, v7;
	v8 =	vmin.f32 v2, v4;
	v9 =	vmin.f32 v3, v5;
	v10, _, _ =	vpop (xrf1)  }
0x45: {  	v0 =	vmax.f32 v2, v4;
	v3 =	vmax.f32 v3, v5;
	v2 =	vmin.f32 v8, v9;
	v4, _, _ =	vpop (xrf1)  }
0x46: {  	v5 =	vmax.f32 v8, v9;
	(xrf1) =	vsort.ascd.msk.f32 $0xffff, v2, v2;
	v7, _, _ =	vpop (xrf1)  }
0x47: {  	v8 =	vmin.f32 v0, v3;
	v0 =	vmax.f32 v0, v3;
	(xrf1) =	vsort.ascd.msk.f32 $0xffff, v5, v5;
	v9, _, _ =	vpop (xrf1)  }
0x48: {  	v2 =	vmax.f32 v6, v10;
	v5 =	vmax.f32 v1, v4;
	(xrf1) =	vsort.ascd.msk.f32 $0xffff, v8, v8;
	v3, _, _ =	vpop (xrf1)  }
0x49: {  	v11 =	vmax.f32 v2, v5;
	(xrf1) =	vsort.ascd.msk.f32 $0xffff, v0, v0;
	v2 =	vmin.f32 v2, v5;
	v12, _, _ =	vpop (xrf1)  }
0x4a: {  	(xrf1) =	vsort.dscd.msk.f32 $0xffff, v11, v11;
	v8 =	vmax.f32 v7, v3;
	v0 =	vmax.f32 v9, v12  }
0x4b: {  	v5 =	vmin.f32 v6, v10;
	(xrf1) =	vsort.dscd.msk.f32 $0xffff, v2, v2;
	v6 =	vmin.f32 v8, v0  }
0x4c: {  	v1 =	vmin.f32 v1, v4;
	v0 =	vmax.f32 v8, v0;
	(xrf1) =	vsort.ascd.msk.f32 $0xffff, v6, v6  }
0x4d: {  	v2 =	vmax.f32 v5, v1;
	(xrf1) =	vsort.ascd.msk.f32 $0xffff, v0, v0  }
0x4e: {  	(xrf1) =	vsort.dscd.msk.f32 $0xffff, v2, v2  }
0x4f: {  	v0 =	vmin.f32 v5, v1  }
0x50: {  	(xrf1) =	vsort.dscd.msk.f32 $0xffff, v0, v0;
	_ =	sdelay $0x1  }
0x51: {  	v0, _, _ =	vpop (xrf1)  }
0x52: {  	v1, _, _ =	vpop (xrf1)  }
0x53: {  	v2 =	vmin.f32 v7, v3;
	v3 =	vmin.f32 v9, v12;
	v4, _, _ =	vpop (xrf1)  }
0x54: {  	v5 =	vmin.f32 v2, v3;
	v6, _, _ =	vpop (xrf1)  }
0x55: {  	v2 =	vmax.f32 v2, v3;
	(xrf1) =	vsort.ascd.msk.f32 $0xffff, v5, v5;
	v7, _, _ =	vpop (xrf1)  }
0x56: {  	(xrf1) =	vsort.ascd.msk.f32 $0xffff, v2, v2;
	v3, _, _ =	vpop (xrf1)  }
0x57: {  	v5, _, _ =	vpop (xrf1)  }
0x58: {  	v2, _, _ =	vpop (xrf1)  }
0x59: {  	v8, _, _ =	vpop (xrf1)  }
0x5a: {  	v10 =	vmin.f32 v4, v5;
	v4 =	vmax.f32 v4, v5;
	v5 =	vmin.f32 v6, v2;
	v9, _, _ =	vpop (xrf1)  }
0x5b: {  	v2 =	vmax.f32 v6, v2;
	v11 =	vmax.f32 v8, v0;
	v0 =	vmin.f32 v8, v0;
	v13, _, _ =	vpop (xrf1)  }
0x5c: {  	v12 =	vmax.f32 v9, v1;
	v1 =	vmin.f32 v9, v1;
	v14 =	vmin.f32 v7, v13  }
0x5d: {  	v6, _, _ =	vpop (xrf1);
	v7 =	vmax.f32 v7, v13;
	v8 =	vmin.f32 v11, v12;
	v9 =	vmax.f32 v11, v12  }
0x5e: {  	v13 =	vmin.f32 v3, v6;
	v3 =	vmax.f32 v3, v6;
	v6 =	vmax.f32 v10, v14  }
0x5f: {  	v12 =	vmin.f32 v4, v7;
	(xrf1) =	vsort.dscd.msk.f32 $0xffff, v9, v9;
	v11 =	vmax.f32 v5, v13  }
0x60: {  	v4 =	vmax.f32 v4, v7;
	(xrf1) =	vsort.dscd.msk.f32 $0xffff, v8, v8;
	v7 =	vmin.f32 v6, v11  }
0x61: {  	v8 =	vmin.f32 v2, v3;
	v6 =	vmax.f32 v6, v11;
	(xrf1) =	vsort.ascd.msk.f32 $0xffff, v7, v7  }
0x62: {  	v2 =	vmax.f32 v2, v3;
	v3 =	vmin.f32 v12, v8;
	(xrf1) =	vsort.ascd.msk.f32 $0xffff, v6, v6  }
0x63: {  	s31 =	simm.s32 $0x100;
	s23 =	simm.s32 $0x80;
	v8 =	vmax.f32 v12, v8;
	v7, _, _ =	vpop (xrf1);
	(xrf1) =	vsort.ascd.msk.f32 $0xffff, v3, v3;
	v3 =	vmin.f32 v4, v2  }
0x64: {  	s22 =	sand.u32 $0x3800, s31;
	s24 =	sand.u32 $0x380, s23;
	v6 =	vmin.f32 v7, v0;
	v0 =	vmax.f32 v7, v0;
	v7, _, _ =	vpop (xrf1);
	(xrf1) =	vsort.ascd.msk.f32 $0xffff, v8, v8  }
0x65: {  	s22 =	sor.u32 s24, s22;
	v2 =	vmax.f32 v4, v2;
	v8 =	vmax.f32 v7, v1;
	(xrf1) =	vsort.ascd.msk.f32 $0xffff, v3, v3  }
0x66: {  	v3 =	vld [tilespmem:s22+$0x440];
	v1 =	vmin.f32 v7, v1;
	v4 =	vmax.f32 v0, v8;
	(xrf1) =	vsort.ascd.msk.f32 $0xffff, v2, v2  }
0x67: {  	v2 =	vld [tilespmem:s22+$0x450];
	v7 =	vmax.f32 v6, v1;
	(xrf1) =	vsort.dscd.msk.f32 $0xffff, v4, v4  }
0x68: {  	v1 =	vmin.f32 v6, v1;
	v4 =	vld [tilespmem:s22+$0x0];
	(xrf1) =	vsort.dscd.msk.f32 $0xffff, v7, v7  }
0x69: {  	v6 =	vld [tilespmem:s22+$0x10];
	v0 =	vmin.f32 v0, v8;
	(xrf1) =	vsort.dscd.msk.f32 $0xffff, v1, v1  }
0x6a: {  	v1 =	vld [tilespmem:s22+$0x20];
	(xrf1) =	vsort.dscd.msk.f32 $0xffff, v0, v0  }
0x6b: {  	v0 =	vld [tilespmem:s22+$0x30];
	(xrf1) =	vsort.ascd.msk.f32 $0xffff, v3, v3  }
0x6c: {  	v3 =	vld [tilespmem:s22+$0x40];
	(xrf1) =	vsort.dscd.msk.f32 $0xffff, v2, v2  }
0x6d: {  	v2 =	vld [tilespmem:s22+$0x50];
	(xrf1) =	vsort.ascd.msk.f32 $0xffff, v4, v4;
	v4, _, _ =	vpop (xrf1)  }
0x6e: {  	v7 =	vld [tilespmem:s22+$0x60];
	(xrf1) =	vsort.dscd.msk.f32 $0xffff, v6, v6;
	v6, _, _ =	vpop (xrf1)  }
0x6f: {  	v8 =	vld [tilespmem:s22+$0x70];
	(xrf1) =	vsort.ascd.msk.f32 $0xffff, v1, v1;
	v1, _, _ =	vpop (xrf1)  }
0x70: {  	v9 =	vld [tilespmem:s22+$0x400];
	(xrf1) =	vsort.dscd.msk.f32 $0xffff, v0, v0;
	v0, _, _ =	vpop (xrf1)  }
0x71: {  	v11 =	vld [tilespmem:s22+$0x410];
	(xrf1) =	vsort.ascd.msk.f32 $0xffff, v3, v3;
	v3, _, _ =	vpop (xrf1)  }
0x72: {  	v12 =	vld [tilespmem:s22+$0x420];
	(xrf1) =	vsort.dscd.msk.f32 $0xffff, v2, v2;
	v15, _, _ =	vpop (xrf1);
	v2 =	vmin.f32 v10, v14  }
0x73: {  	(xrf1) =	vsort.ascd.msk.f32 $0xffff, v7, v7;
	v10, _, _ =	vpop (xrf1)  }
0x74: {  	v5 =	vmin.f32 v5, v13;
	v17 =	vmin.f32 v1, v4;
	(xrf1) =	vsort.dscd.msk.f32 $0xffff, v8, v8;
	v14, _, _ =	vpop (xrf1)  }
0x75: {  	v13 =	vmin.f32 v2, v5;
	v16 =	vmax.f32 v2, v5;
	(xrf1) =	vsort.ascd.msk.f32 $0xffff, v9, v9;
	v2, _, _ =	vpop (xrf1)  }
0x76: {  	v1 =	vmax.f32 v1, v4;
	v20 =	vmin.f32 v0, v6;
	v5 =	vld [tilespmem:s22+$0x430];
	(xrf1) =	vsort.dscd.msk.f32 $0xffff, v11, v11;
	v18, _, _ =	vpop (xrf1)  }
0x77: {  	v0 =	vmax.f32 v0, v6;
	v8 =	vmin.f32 v3, v2;
	(xrf1) =	vsort.ascd.msk.f32 $0xffff, v12, v12;
	v12, _, _ =	vpop (xrf1)  }
0x78: {  	v21 =	vmax.f32 v3, v2;
	v6 =	vmax.f32 v10, v18;
	v2 =	vmax.f32 v14, v12;
	v7, _, _ =	vpop (xrf1)  }
0x79: {  	v22 =	vmin.f32 v1, v6;
	v9 =	vmax.f32 v15, v7;
	v11 =	vmin.f32 v0, v2  }
0x7a: {  	v19, _, _ =	vpop (xrf1);
	v3 =	vmax.f32 v21, v22;
	v4 =	vmax.f32 v9, v11  }
0x7b: {  	(xrf1) =	vsort.dscd.msk.f32 $0xffff, v5, v5;
	v23, _, _ =	vpop (xrf1);
	v5 =	vmax.f32 v3, v4  }
0x7c: {  	v10 =	vmin.f32 v10, v18;
	(xrf1) =	vsort.ascd.msk.f32 $0xffff, v13, v13;
	v24, _, _ =	vpop (xrf1)  }
0x7d: {  	v12 =	vmin.f32 v14, v12;
	v7 =	vmin.f32 v15, v7;
	v25, _, _ =	vpop (xrf1);
	(xrf1) =	vsort.ascd.msk.f32 $0xffff, v5, v5  }
0x7e: {  	v13 =	vmin.f32 v17, v10;
	v14 =	vmin.f32 v19, v23;
	(xrf1) =	vsort.ascd.msk.f32 $0xffff, v16, v16;
	v5, _, _ =	vpop (xrf1)  }
0x7f: {  	v10 =	vmax.f32 v17, v10;
	v15 =	vmax.f32 v19, v23;
	(xrf1) =	vsort.ascd.msk.f32 $0xffff, v14, v14;
	v18, _, _ =	vpop (xrf1)  }
0x80: {  	v23 =	vmax.f32 v24, v25;
	v14 =	vmin.f32 v24, v25;
	(xrf1) =	vsort.ascd.msk.f32 $0xffff, v15, v15;
	v16, _, _ =	vpop (xrf1)  }
0x81: {  	v15 =	vmin.f32 v20, v12;
	v12 =	vmax.f32 v20, v12;
	(xrf1) =	vsort.ascd.msk.f32 $0xffff, v14, v14;
	v19, _, _ =	vpop (xrf1)  }
0x82: {  	s24 =	simm.s32 $0x200;
	v20 =	vmax.f32 v5, v18;
	v14 =	vmin.f32 v21, v22;
	(xrf1) =	vsort.ascd.msk.f32 $0xffff, v23, v23;
	v17, _, _ =	vpop (xrf1)  }
.LBB2_3:
0x83: {  	p1 =	sne.s32 s24, $0x3F00;
	v5 =	vmin.f32 v5, v18;
	v18, _, _ =	vpop (xrf1);
	(xrf1) =	vsort.dscd.msk.f32 $0xffff, v20, v20;
	v9 =	vmin.f32 v9, v11  }
0x84: {  	v11 =	vmin.f32 v16, v19;
	v6 =	vmax.f32 v1, v6;
	v20, _, _ =	vpop (xrf1);
	(xrf1) =	vsort.dscd.msk.f32 $0xffff, v5, v5  }
0x85: {  	v1 =	vmax.f32 v16, v19;
	v16, _, _ =	vpop (xrf1);
	(xrf1) =	vsort.ascd.msk.f32 $0xffff, v11, v11;
	v11 =	vmax.f32 v0, v2  }
0x86: {  	v5 =	vmin.f32 v14, v9;
	v0 =	vmax.f32 v17, v18;
	v19, _, _ =	vpop (xrf1);
	(xrf1) =	vsort.ascd.msk.f32 $0xffff, v1, v1  }
0x87: {  	v2 =	vmin.f32 v17, v18;
	v1 =	vmax.f32 v14, v9;
	(xrf1) =	vsort.dscd.msk.f32 $0xffff, v0, v0  }
0x88: {  	v9 =	vmin.f32 v20, v16;
	v0 =	vmin.f32 v3, v4;
	(xrf1) =	vsort.dscd.msk.f32 $0xffff, v2, v2  }
0x89: {  	v3 =	vmax.f32 v20, v16;
	v2 =	vmin.f32 v6, v11;
	v4, _, _ =	vpop (xrf1);
	(xrf1) =	vsort.ascd.msk.f32 $0xffff, v9, v9  }
0x8a: {  	v9 =	vmax.f32 v19, v4;
	(xrf1) =	vsort.ascd.msk.f32 $0xffff, v3, v3;
	v3 =	vmax.f32 v6, v11;
	v6, _, _ =	vpop (xrf1)  }
0x8b: {  	v4 =	vmin.f32 v19, v4;
	(xrf1) =	vsort.dscd.msk.f32 $0xffff, v9, v9;
	v9 =	vmin.f32 v6, v8;
	v11, _, _ =	vpop (xrf1)  }
0x8c: {  	(xrf1) =	vsort.dscd.msk.f32 $0xffff, v4, v4;
	v4 =	vmax.f32 v6, v8;
	v6 =	vmin.f32 v9, v13;
	[tilespmem:s21+$0x8430] =	vst v11;
	v8, _, _ =	vpop (xrf1)  }
0x8d: {  	v11, _, _ =	vpop (xrf1);
	v14 =	vmin.f32 v8, v7;
	v7 =	vmax.f32 v8, v7;
	v8 =	vmax.f32 v9, v13  }
0x8e: {  	v9, _, _ =	vpop (xrf1);
	v13 =	vmin.f32 v14, v15;
	v14 =	vmax.f32 v14, v15;
	v15 =	vmin.f32 v4, v10  }
0x8f: {  	v4 =	vmax.f32 v4, v10;
	v10 =	vmin.f32 v7, v12;
	v7 =	vmax.f32 v7, v12;
	v16, _, _ =	vpop (xrf1)  }
0x90: {  	v17 =	vmin.f32 v6, v13;
	v6 =	vmax.f32 v6, v13;
	v13 =	vmin.f32 v8, v14;
	v12, _, _ =	vpop (xrf1)  }
0x91: {  	v8 =	vmax.f32 v8, v14;
	v14 =	vmin.f32 v15, v10;
	v10 =	vmax.f32 v15, v10;
	v18, _, _ =	vpop (xrf1)  }
0x92: {  	v19 =	vmin.f32 v4, v7;
	v4 =	vmax.f32 v4, v7;
	v15, _, _ =	vpop (xrf1);
	(xrf1) =	vsort.ascd.msk.f32 $0xffff, v17, v17  }
0x93: {  	v7, _, _ =	vpop (xrf1);
	(xrf1) =	vsort.ascd.msk.f32 $0xffff, v6, v6  }
0x94: {  	v6 =	vmin.f32 v11, v9;
	v9 =	vmax.f32 v11, v9;
	v11, _, _ =	vpop (xrf1);
	(xrf1) =	vsort.ascd.msk.f32 $0xffff, v13, v13  }
0x95: {  	v21 =	vmin.f32 v16, v18;
	v17 =	vmin.f32 v12, v15;
	v20, _, _ =	vpop (xrf1);
	(xrf1) =	vsort.dscd.msk.f32 $0xffff, v9, v9  }
0x96: {  	v9 =	vmax.f32 v16, v18;
	v16 =	vmin.f32 v21, v17;
	v18, _, _ =	vpop (xrf1);
	(xrf1) =	vsort.dscd.msk.f32 $0xffff, v6, v6  }
0x97: {  	v6 =	vmax.f32 v12, v15;
	v12 =	vmax.f32 v21, v17;
	v13, _, _ =	vpop (xrf1);
	(xrf1) =	vsort.ascd.msk.f32 $0xffff, v16, v16  }
0x98: {  	v15 =	vmax.f32 v7, v20;
	v16 =	vmin.f32 v9, v6;
	v17, _, _ =	vpop (xrf1);
	(xrf1) =	vsort.ascd.msk.f32 $0xffff, v12, v12  }
0x99: {  	v6 =	vmax.f32 v9, v6;
	v12 =	vmax.f32 v11, v18;
	v9, _, _ =	vpop (xrf1);
	(xrf1) =	vsort.ascd.msk.f32 $0xffff, v16, v16  }
0x9a: {  	v21 =	vmax.f32 v15, v12;
	v16 =	vmax.f32 v13, v9;
	v22, _, _ =	vpop (xrf1);
	(xrf1) =	vsort.ascd.msk.f32 $0xffff, v6, v6  }
0x9b: {  	v12 =	vmin.f32 v15, v12;
	v6 =	vmax.f32 v17, v22;
	(xrf1) =	vsort.dscd.msk.f32 $0xffff, v21, v21  }
0x9c: {  	v7 =	vmin.f32 v7, v20;
	v15 =	vmin.f32 v16, v6;
	(xrf1) =	vsort.dscd.msk.f32 $0xffff, v12, v12  }
0x9d: {  	v11 =	vmin.f32 v11, v18;
	v6 =	vmax.f32 v16, v6;
	(xrf1) =	vsort.ascd.msk.f32 $0xffff, v15, v15  }
0x9e: {  	v12 =	vmax.f32 v7, v11;
	(xrf1) =	vsort.ascd.msk.f32 $0xffff, v6, v6  }
0x9f: {  	v7 =	vmin.f32 v7, v11;
	(xrf1) =	vsort.dscd.msk.f32 $0xffff, v12, v12  }
0xa0: {  	(xrf1) =	vsort.dscd.msk.f32 $0xffff, v7, v7;
	v6, _, _ =	vpop (xrf1)  }
0xa1: {  	[tilespmem:s21+$0x8000] =	vst v6;
	v6, _, _ =	vpop (xrf1);
	(xrf1) =	vsort.ascd.msk.f32 $0xffff, v8, v8  }
0xa2: {  	[tilespmem:s21+$0x8010] =	vst v6;
	v6, _, _ =	vpop (xrf1);
	(xrf1) =	vsort.ascd.msk.f32 $0xffff, v14, v14  }
0xa3: {  	v7, _, _ =	vpop (xrf1);
	[tilespmem:s21+$0x8020] =	vst v6;
	(xrf1) =	vsort.ascd.msk.f32 $0xffff, v10, v10  }
0xa4: {  	v6, _, _ =	vpop (xrf1);
	(xrf1) =	vsort.ascd.msk.f32 $0xffff, v19, v19  }
0xa5: {  	v8 =	vmin.f32 v13, v9;
	v9 =	vmin.f32 v17, v22;
	v10, _, _ =	vpop (xrf1);
	(xrf1) =	vsort.ascd.msk.f32 $0xffff, v4, v4  }
0xa6: {  	v4 =	vmin.f32 v8, v9;
	v11, _, _ =	vpop (xrf1);
	(xrf1) =	vsort.ascd.msk.f32 $0xffff, v5, v5  }
0xa7: {  	v5, _, _ =	vpop (xrf1);
	(xrf1) =	vsort.ascd.msk.f32 $0xffff, v4, v4  }
0xa8: {  	v9 =	vmax.f32 v8, v9;
	v8, _, _ =	vpop (xrf1);
	(xrf1) =	vsort.ascd.msk.f32 $0xffff, v1, v1  }
0xa9: {  	v1, _, _ =	vpop (xrf1);
	(xrf1) =	vsort.ascd.msk.f32 $0xffff, v9, v9  }
0xaa: {  	v4, _, _ =	vpop (xrf1);
	(xrf1) =	vsort.ascd.msk.f32 $0xffff, v0, v0  }
0xab: {  	v0, _, _ =	vpop (xrf1);
	(xrf1) =	vsort.ascd.msk.f32 $0xffff, v2, v2  }
0xac: {  	v2, _, _ =	vpop (xrf1);
	(xrf1) =	vsort.ascd.msk.f32 $0xffff, v3, v3  }
0xad: {  	v3 =	vmin.f32 v10, v1;
	v9 =	vmax.f32 v0, v7;
	v12 =	vmax.f32 v2, v6;
	v13, _, _ =	vpop (xrf1)  }
0xae: {  	v1 =	vmax.f32 v10, v1;
	v10 =	vmin.f32 v11, v4;
	v4 =	vmax.f32 v11, v4;
	v11, _, _ =	vpop (xrf1)  }
0xaf: {  	v14 =	vmin.f32 v5, v13;
	v5 =	vmax.f32 v5, v13;
	v13 =	vmin.f32 v8, v11;
	v15, _, _ =	vpop (xrf1)  }
0xb0: {  	v0 =	vmin.f32 v0, v7;
	v2 =	vmin.f32 v2, v6;
	v8 =	vmax.f32 v8, v11;
	[tilespmem:s21+$0x8030] =	vst v15;
	v6, _, _ =	vpop (xrf1)  }
0xb1: {  	v7 =	vmax.f32 v3, v14;
	v11 =	vmin.f32 v9, v12;
	v9 =	vmax.f32 v9, v12;
	[tilespmem:s21+$0x8040] =	vst v6;
	v6, _, _ =	vpop (xrf1)  }
0xb2: {  	v12 =	vmax.f32 v10, v13;
	v15 =	vmin.f32 v1, v5;
	(xrf1) =	vsort.dscd.msk.f32 $0xffff, v9, v9;
	[tilespmem:s21+$0x8050] =	vst v6;
	v6, _, _ =	vpop (xrf1)  }
0xb3: {  	v1 =	vmax.f32 v1, v5;
	v16 =	vmin.f32 v7, v12;
	(xrf1) =	vsort.dscd.msk.f32 $0xffff, v11, v11;
	[tilespmem:s21+$0x8060] =	vst v6;
	v6, _, _ =	vpop (xrf1)  }
0xb4: {  	v7 =	vmax.f32 v7, v12;
	v9 =	vmin.f32 v4, v8;
	(xrf1) =	vsort.ascd.msk.f32 $0xffff, v16, v16;
	[tilespmem:s21+$0x8070] =	vst v6;
	v5, _, _ =	vpop (xrf1)  }
0xb5: {  	v4 =	vmax.f32 v4, v8;
	v11 =	vmin.f32 v15, v9;
	v8, _, _ =	vpop (xrf1);
	(xrf1) =	vsort.ascd.msk.f32 $0xffff, v7, v7;
	[tilespmem:s21+$0x8400] =	vst v5  }
0xb6: {  	s23 =	sadd.s32 $0x80, s23;
	v7 =	vmax.f32 v15, v9;
	v5 =	vmin.f32 v8, v0;
	(xrf1) =	vsort.ascd.msk.f32 $0xffff, v11, v11;
	v6, _, _ =	vpop (xrf1)  }
0xb7: {  	s25 =	sand.u32 $0x3800, s24;
	s26 =	sand.u32 $0x380, s23;
	v0 =	vmax.f32 v8, v0;
	v8 =	vmin.f32 v1, v4;
	v9, _, _ =	vpop (xrf1);
	(xrf1) =	vsort.ascd.msk.f32 $0xffff, v7, v7;
	[tilespmem:s21+$0x8410] =	vst v6  }
0xb8: {  	s25 =	sor.u32 s26, s25;
	v11 =	vmax.f32 v1, v4;
	v6 =	vmax.f32 v9, v2;
	(xrf1) =	vsort.ascd.msk.f32 $0xffff, v8, v8;
	v4, _, _ =	vpop (xrf1)  }
0xb9: {  	v2 =	vmin.f32 v9, v2;
	v7 =	vld [tilespmem:s25+$0x440];
	v8 =	vmax.f32 v0, v6;
	(xrf1) =	vsort.ascd.msk.f32 $0xffff, v11, v11;
	[tilespmem:s21+$0x8420] =	vst v4;
	v1, _, _ =	vpop (xrf1)  }
0xba: {  	v3 =	vmin.f32 v3, v14;
	v9 =	vmax.f32 v5, v2;
	v4 =	vld [tilespmem:s25+$0x450];
	(xrf1) =	vsort.dscd.msk.f32 $0xffff, v8, v8;
	[tilespmem:s21+$0x8440] =	vst v1;
	v1, _, _ =	vpop (xrf1)  }
0xbb: {  	v10 =	vmin.f32 v10, v13;
	v2 =	vmin.f32 v5, v2;
	v8 =	vld [tilespmem:s25+$0x0];
	(xrf1) =	vsort.dscd.msk.f32 $0xffff, v9, v9;
	[tilespmem:s21+$0x8450] =	vst v1;
	s21 =	smov.u32 s22;
	s22 =	smov.u32 s25  }
0xbc: {  	v5 =	vmin.f32 v3, v10;
	v0 =	vmin.f32 v0, v6;
	v1 =	vld [tilespmem:s22+$0x10];
	(xrf1) =	vsort.dscd.msk.f32 $0xffff, v2, v2  }
0xbd: {  	v10 =	vmax.f32 v3, v10;
	v2 =	vld [tilespmem:s22+$0x20];
	(xrf1) =	vsort.dscd.msk.f32 $0xffff, v0, v0  }
0xbe: {  	v0 =	vld [tilespmem:s22+$0x30];
	(xrf1) =	vsort.ascd.msk.f32 $0xffff, v7, v7  }
0xbf: {  	v3 =	vld [tilespmem:s22+$0x40];
	(xrf1) =	vsort.dscd.msk.f32 $0xffff, v4, v4  }
0xc0: {  	v4 =	vld [tilespmem:s22+$0x50];
	(xrf1) =	vsort.ascd.msk.f32 $0xffff, v8, v8;
	v6, _, _ =	vpop (xrf1)  }
0xc1: {  	v7 =	vld [tilespmem:s22+$0x60];
	(xrf1) =	vsort.dscd.msk.f32 $0xffff, v1, v1;
	v9, _, _ =	vpop (xrf1)  }
0xc2: {  	v1 =	vld [tilespmem:s22+$0x70];
	(xrf1) =	vsort.ascd.msk.f32 $0xffff, v2, v2;
	v2, _, _ =	vpop (xrf1)  }
0xc3: {  	v8 =	vld [tilespmem:s22+$0x400];
	(xrf1) =	vsort.dscd.msk.f32 $0xffff, v0, v0;
	v12 =	vmin.f32 v2, v6;
	v0, _, _ =	vpop (xrf1)  }
0xc4: {  	v11 =	vld [tilespmem:s22+$0x410];
	(xrf1) =	vsort.ascd.msk.f32 $0xffff, v3, v3;
	v14 =	vmin.f32 v0, v9;
	v3, _, _ =	vpop (xrf1)  }
0xc5: {  	v13 =	vld [tilespmem:s22+$0x420];
	(xrf1) =	vsort.dscd.msk.f32 $0xffff, v4, v4;
	v15, _, _ =	vpop (xrf1)  }
0xc6: {  	(xrf1) =	vsort.ascd.msk.f32 $0xffff, v7, v7;
	v16, _, _ =	vpop (xrf1)  }
0xc7: {  	(xrf1) =	vsort.dscd.msk.f32 $0xffff, v1, v1;
	v17, _, _ =	vpop (xrf1)  }
0xc8: {  	v4 =	vld [tilespmem:s22+$0x430];
	(xrf1) =	vsort.ascd.msk.f32 $0xffff, v8, v8;
	v7, _, _ =	vpop (xrf1)  }
0xc9: {  	(xrf1) =	vsort.dscd.msk.f32 $0xffff, v11, v11;
	v8 =	vmin.f32 v3, v7;
	v18, _, _ =	vpop (xrf1)  }
0xca: {  	v1 =	vmax.f32 v2, v6;
	v21 =	vmax.f32 v3, v7;
	(xrf1) =	vsort.ascd.msk.f32 $0xffff, v13, v13;
	v13, _, _ =	vpop (xrf1)  }
0xcb: {  	v0 =	vmax.f32 v0, v9;
	v6 =	vmax.f32 v16, v18;
	v2 =	vmax.f32 v17, v13;
	v7, _, _ =	vpop (xrf1)  }
0xcc: {  	v22 =	vmin.f32 v1, v6;
	v19, _, _ =	vpop (xrf1);
	v9 =	vmax.f32 v15, v7;
	v11 =	vmin.f32 v0, v2  }
0xcd: {  	v3 =	vmax.f32 v21, v22;
	(xrf1) =	vsort.dscd.msk.f32 $0xffff, v4, v4;
	v20, _, _ =	vpop (xrf1);
	v4 =	vmax.f32 v9, v11  }
0xce: {  	v7 =	vmin.f32 v15, v7;
	v23, _, _ =	vpop (xrf1);
	v15 =	vmax.f32 v3, v4;
	(xrf1) =	vsort.ascd.msk.f32 $0xffff, v5, v5  }
0xcf: {  	v16 =	vmin.f32 v16, v18;
	v17 =	vmin.f32 v17, v13;
	v24, _, _ =	vpop (xrf1);
	(xrf1) =	vsort.ascd.msk.f32 $0xffff, v15, v15  }
.Ltmp0:
0xd0: {  	v13 =	vmin.f32 v12, v16;
	v15 =	vmin.f32 v19, v20;
	v5, _, _ =	vpop (xrf1);
	(xrf1) =	vsort.ascd.msk.f32 $0xffff, v10, v10;
	(pc) =	sbr.rel @p1 .LBB2_3-.Ltmp0, $4  }
0xd1: {  	v20 =	vmax.f32 v19, v20;
	v10 =	vmax.f32 v12, v16;
	v18, _, _ =	vpop (xrf1);
	(xrf1) =	vsort.ascd.msk.f32 $0xffff, v15, v15  }
0xd2: {  	v12 =	vmin.f32 v23, v24;
	v15 =	vmin.f32 v14, v17;
	v16, _, _ =	vpop (xrf1);
	(xrf1) =	vsort.ascd.msk.f32 $0xffff, v20, v20  }
0xd3: {  	v23 =	vmax.f32 v23, v24;
	v19, _, _ =	vpop (xrf1);
	(xrf1) =	vsort.ascd.msk.f32 $0xffff, v12, v12;
	v12 =	vmax.f32 v14, v17  }
0xd4: {  	s24 =	sadd.s32 $0x100, s24;
	v20 =	vmax.f32 v5, v18;
	v14 =	vmin.f32 v21, v22;
	v17, _, _ =	vpop (xrf1);
	(xrf1) =	vsort.ascd.msk.f32 $0xffff, v23, v23  }
0xd5: {  	v5 =	vmin.f32 v5, v18;
	(xrf1) =	vsort.dscd.msk.f32 $0xffff, v20, v20  }
0xd6: {  	v42 =	vmin.f32 v16, v19;
	(xrf1) =	vsort.dscd.msk.f32 $0xffff, v5, v5  }
0xd7: {  	v43, _, _ =	vpop (xrf1);
	v44 =	vmax.f32 v16, v19;
	(xrf1) =	vsort.ascd.msk.f32 $0xffff, v42, v42  }
0xd8: {  	v45, _, _ =	vpop (xrf1);
	v46 =	vmax.f32 v17, v43;
	(xrf1) =	vsort.ascd.msk.f32 $0xffff, v44, v44  }
0xd9: {  	v5 =	vmin.f32 v17, v43;
	v47, _, _ =	vpop (xrf1);
	(xrf1) =	vsort.dscd.msk.f32 $0xffff, v46, v46  }
0xda: {  	v48, _, _ =	vpop (xrf1);
	v49 =	vmin.f32 v45, v47;
	(xrf1) =	vsort.dscd.msk.f32 $0xffff, v5, v5  }
0xdb: {  	v50 =	vmax.f32 v45, v47;
	v51, _, _ =	vpop (xrf1);
	(xrf1) =	vsort.ascd.msk.f32 $0xffff, v49, v49  }
0xdc: {  	v52 =	vmax.f32 v48, v51;
	(xrf1) =	vsort.ascd.msk.f32 $0xffff, v50, v50;
	v53, _, _ =	vpop (xrf1)  }
0xdd: {  	v16 =	vmin.f32 v48, v51;
	(xrf1) =	vsort.dscd.msk.f32 $0xffff, v52, v52;
	v5, _, _ =	vpop (xrf1)  }
0xde: {  	(xrf1) =	vsort.dscd.msk.f32 $0xffff, v16, v16;
	v54, _, _ =	vpop (xrf1)  }
0xdf: {  	v55, _, _ =	vpop (xrf1)  }
0xe0: {  	v56, _, _ =	vpop (xrf1)  }
0xe1: {  	v57 =	vmin.f32 v53, v8;
	v21 =	vmin.f32 v54, v7;
	v22, _, _ =	vpop (xrf1)  }
0xe2: {  	v23 =	vmin.f32 v57, v13;
	v24 =	vmin.f32 v21, v15;
	v25, _, _ =	vpop (xrf1)  }
0xe3: {  	v58 =	vmax.f32 v57, v13;
	v59 =	vmin.f32 v23, v24;
	v26, _, _ =	vpop (xrf1)  }
0xe4: {  	v60 =	vmax.f32 v21, v15;
	v61 =	vmax.f32 v23, v24;
	(xrf1) =	vsort.ascd.msk.f32 $0xffff, v59, v59;
	v62, _, _ =	vpop (xrf1)  }
0xe5: {  	v63 =	vmax.f32 v53, v8;
	v31 =	vmin.f32 v58, v60;
	v32, _, _ =	vpop (xrf1);
	(xrf1) =	vsort.ascd.msk.f32 $0xffff, v61, v61  }
0xe6: {  	v33 =	vmin.f32 v55, v56;
	v17 =	vmax.f32 v55, v56;
	v34, _, _ =	vpop (xrf1);
	(xrf1) =	vsort.ascd.msk.f32 $0xffff, v31, v31  }
0xe7: {  	v35 =	vmin.f32 v22, v26;
	v36 =	vmin.f32 v25, v62;
	v27, _, _ =	vpop (xrf1);
	(xrf1) =	vsort.dscd.msk.f32 $0xffff, v17, v17  }
0xe8: {  	v37 =	vmax.f32 v22, v26;
	v38 =	vmin.f32 v35, v36;
	v39, _, _ =	vpop (xrf1);
	(xrf1) =	vsort.dscd.msk.f32 $0xffff, v33, v33  }
0xe9: {  	v40 =	vmax.f32 v25, v62;
	v19 =	vmax.f32 v35, v36;
	v41, _, _ =	vpop (xrf1);
	(xrf1) =	vsort.ascd.msk.f32 $0xffff, v38, v38  }
0xea: {  	v43 =	vmin.f32 v37, v40;
	v17 =	vmax.f32 v37, v40;
	v44, _, _ =	vpop (xrf1);
	(xrf1) =	vsort.ascd.msk.f32 $0xffff, v19, v19  }
0xeb: {  	v42 =	vmax.f32 v32, v27;
	v45 =	vmax.f32 v34, v39;
	v46, _, _ =	vpop (xrf1);
	(xrf1) =	vsort.ascd.msk.f32 $0xffff, v43, v43  }
0xec: {  	v28 =	vmax.f32 v42, v45;
	v19 =	vmin.f32 v42, v45;
	v29, _, _ =	vpop (xrf1);
	(xrf1) =	vsort.ascd.msk.f32 $0xffff, v17, v17  }
0xed: {  	v47 =	vmax.f32 v41, v46;
	v48 =	vmax.f32 v44, v29;
	(xrf1) =	vsort.dscd.msk.f32 $0xffff, v28, v28  }
0xee: {  	v20 =	vmin.f32 v32, v27;
	v49 =	vmin.f32 v47, v48;
	(xrf1) =	vsort.dscd.msk.f32 $0xffff, v19, v19  }
0xef: {  	v18 =	vmin.f32 v34, v39;
	v17 =	vmax.f32 v47, v48;
	(xrf1) =	vsort.ascd.msk.f32 $0xffff, v49, v49  }
0xf0: {  	v51 =	vmin.f32 v63, v10;
	v50 =	vmax.f32 v20, v18;
	(xrf1) =	vsort.ascd.msk.f32 $0xffff, v17, v17  }
0xf1: {  	v16 =	vmax.f32 v54, v7;
	v18 =	vmin.f32 v20, v18;
	(xrf1) =	vsort.dscd.msk.f32 $0xffff, v50, v50  }
0xf2: {  	v52 =	vmin.f32 v16, v12;
	v15 =	vmax.f32 v58, v60;
	v13, _, _ =	vpop (xrf1);
	(xrf1) =	vsort.dscd.msk.f32 $0xffff, v18, v18  }
0xf3: {  	v53 =	vmax.f32 v63, v10;
	v54 =	vmin.f32 v51, v52;
	v7, _, _ =	vpop (xrf1);
	(xrf1) =	vsort.ascd.msk.f32 $0xffff, v15, v15  }
0xf4: {  	v55 =	vmax.f32 v16, v12;
	v56 =	vmax.f32 v51, v52;
	v8, _, _ =	vpop (xrf1);
	(xrf1) =	vsort.ascd.msk.f32 $0xffff, v54, v54  }
0xf5: {  	v9 =	vmin.f32 v9, v11;
	v57 =	vmin.f32 v53, v55;
	v58, _, _ =	vpop (xrf1);
	(xrf1) =	vsort.ascd.msk.f32 $0xffff, v56, v56  }
0xf6: {  	v59 =	vmin.f32 v14, v9;
	v10 =	vmax.f32 v53, v55;
	v60, _, _ =	vpop (xrf1);
	(xrf1) =	vsort.ascd.msk.f32 $0xffff, v57, v57  }
0xf7: {  	v61 =	vmin.f32 v41, v46;
	v62 =	vmin.f32 v44, v29;
	v63, _, _ =	vpop (xrf1);
	(xrf1) =	vsort.ascd.msk.f32 $0xffff, v10, v10  }
0xf8: {  	v21 =	vmin.f32 v61, v62;
	v22, _, _ =	vpop (xrf1);
	(xrf1) =	vsort.ascd.msk.f32 $0xffff, v59, v59  }
0xf9: {  	v9 =	vmax.f32 v14, v9;
	v23, _, _ =	vpop (xrf1);
	(xrf1) =	vsort.ascd.msk.f32 $0xffff, v21, v21  }
0xfa: {  	v24 =	vmax.f32 v61, v62;
	v25, _, _ =	vpop (xrf1);
	(xrf1) =	vsort.ascd.msk.f32 $0xffff, v9, v9  }
0xfb: {  	v27, _, _ =	vpop (xrf1);
	(xrf1) =	vsort.ascd.msk.f32 $0xffff, v24, v24  }
0xfc: {  	v1 =	vmax.f32 v1, v6;
	v0 =	vmax.f32 v0, v2;
	v29, _, _ =	vpop (xrf1)  }
0xfd: {  	v26 =	vmin.f32 v3, v4;
	v28 =	vmin.f32 v1, v0;
	v0 =	vmax.f32 v1, v0;
	v30, _, _ =	vpop (xrf1)  }
0xfe: {  	(xrf1) =	vsort.ascd.msk.f32 $0xffff, v26, v26;
	v32 =	vmin.f32 v63, v27;
	v3 =	vmax.f32 v63, v27;
	v31, _, _ =	vpop (xrf1)  }
0xff: {  	(xrf1) =	vsort.ascd.msk.f32 $0xffff, v28, v28;
	v36 =	vmin.f32 v22, v29;
	v6 =	vmax.f32 v22, v29;
	v35, _, _ =	vpop (xrf1)  }
0x100: {  	(xrf1) =	vsort.ascd.msk.f32 $0xffff, v0, v0;
	v33 =	vmax.f32 v30, v58;
	v34 =	vmax.f32 v31, v60;
	v37, _, _ =	vpop (xrf1)  }
0x101: {  	v1 =	vmin.f32 v30, v58;
	v2 =	vmin.f32 v31, v60;
	v4 =	vmax.f32 v33, v34;
	v19, _, _ =	vpop (xrf1)  }
0x102: {  	v38 =	vmin.f32 v23, v35;
	v11 =	vmax.f32 v23, v35;
	v48 =	vmin.f32 v33, v34;
	v12, _, _ =	vpop (xrf1)  }
0x103: {  	v39 =	vmin.f32 v25, v37;
	v10 =	vmax.f32 v25, v37;
	v47 =	vmax.f32 v32, v38;
	v9, _, _ =	vpop (xrf1)  }
0x104: {  	v50 =	vmin.f32 v3, v11;
	v49 =	vmax.f32 v36, v39;
	(xrf1) =	vsort.dscd.msk.f32 $0xffff, v4, v4;
	v4, _, _ =	vpop (xrf1)  }
0x105: {  	v3 =	vmax.f32 v3, v11;
	v51 =	vmin.f32 v47, v49;
	(xrf1) =	vsort.dscd.msk.f32 $0xffff, v48, v48;
	v17, _, _ =	vpop (xrf1)  }
0x106: {  	v52 =	vmin.f32 v6, v10;
	v16 =	vmax.f32 v47, v49;
	(xrf1) =	vsort.ascd.msk.f32 $0xffff, v51, v51;
	v11, _, _ =	vpop (xrf1)  }
0x107: {  	v6 =	vmax.f32 v6, v10;
	v53 =	vmin.f32 v50, v52;
	(xrf1) =	vsort.ascd.msk.f32 $0xffff, v16, v16;
	v54, _, _ =	vpop (xrf1)  }
0x108: {  	v21 =	vmax.f32 v50, v52;
	v56 =	vmin.f32 v3, v6;
	(xrf1) =	vsort.ascd.msk.f32 $0xffff, v53, v53;
	v10, _, _ =	vpop (xrf1)  }
0x109: {  	v3 =	vmax.f32 v3, v6;
	v55 =	vmin.f32 v54, v1;
	(xrf1) =	vsort.ascd.msk.f32 $0xffff, v21, v21;
	v57, _, _ =	vpop (xrf1)  }
0x10a: {  	v1 =	vmax.f32 v54, v1;
	(xrf1) =	vsort.ascd.msk.f32 $0xffff, v56, v56;
	v58 =	vmax.f32 v57, v2  }
0x10b: {  	v2 =	vmin.f32 v57, v2;
	(xrf1) =	vsort.ascd.msk.f32 $0xffff, v3, v3;
	v59 =	vmax.f32 v1, v58  }
0x10c: {  	v60 =	vmax.f32 v55, v2;
	v2 =	vmin.f32 v55, v2;
	(xrf1) =	vsort.dscd.msk.f32 $0xffff, v59, v59  }
0x10d: {  	v1 =	vmin.f32 v1, v58;
	(xrf1) =	vsort.dscd.msk.f32 $0xffff, v60, v60  }
0x10e: {  	(xrf1) =	vsort.dscd.msk.f32 $0xffff, v2, v2  }
0x10f: {  	v2, _, _ =	vpop (xrf1);
	(xrf1) =	vsort.dscd.msk.f32 $0xffff, v1, v1  }
0x110: {  	v1, _, _ =	vpop (xrf1)  }
0x111: {  	v3, _, _ =	vpop (xrf1)  }
0x112: {  	v61, _, _ =	vpop (xrf1)  }
0x113: {  	v62, _, _ =	vpop (xrf1)  }
0x114: {  	v63, _, _ =	vpop (xrf1)  }
0x115: {  	v40, _, _ =	vpop (xrf1)  }
0x116: {  	v41, _, _ =	vpop (xrf1)  }
0x117: {  	v42, _, _ =	vpop (xrf1)  }
0x118: {  	v43, _, _ =	vpop (xrf1)  }
0x119: {  	v44, _, _ =	vpop (xrf1)  }
0x11a: {  	v45, _, _ =	vpop (xrf1)  }
0x11b: {  	v0 =	vmin.f32 v32, v38;
	v46, _, _ =	vpop (xrf1)  }
0x11c: {  	v14 =	vmin.f32 v36, v39;
	v15 =	vmax.f32 v63, v61;
	v49 =	vmax.f32 v40, v62;
	v48, _, _ =	vpop (xrf1)  }
0x11d: {  	v47 =	vmax.f32 v41, v45;
	v30 =	vmax.f32 v43, v46;
	v31 =	vmax.f32 v44, v48;
	v32, _, _ =	vpop (xrf1)  }
0x11e: {  	v34 =	vmin.f32 v15, v30;
	v33 =	vmax.f32 v42, v32;
	v35 =	vmin.f32 v49, v31  }
0x11f: {  	v36 =	vmin.f32 v0, v14;
	v37 =	vmax.f32 v47, v34;
	v38 =	vmax.f32 v33, v35  }
0x120: {  	(xrf1) =	vsort.ascd.msk.f32 $0xffff, v36, v36;
	v50 =	vmax.f32 v37, v38  }
0x121: {  	v0 =	vmax.f32 v0, v14;
	(xrf1) =	vsort.ascd.msk.f32 $0xffff, v50, v50  }
0x122: {  	(xrf1) =	vsort.ascd.msk.f32 $0xffff, v0, v0;
	_ =	sdelay $0xb  }
0x123: {  	v51 =	vmin.f32 v63, v61;
	v52 =	vmin.f32 v40, v62;
	v18 =	vmin.f32 v43, v46;
	v54, _, _ =	vpop (xrf1)  }
0x124: {  	v53 =	vmin.f32 v41, v45;
	v56 =	vmin.f32 v44, v48;
	v58 =	vmin.f32 v51, v18;
	v57, _, _ =	vpop (xrf1)  }
0x125: {  	v55 =	vmin.f32 v42, v32;
	v59 =	vmin.f32 v52, v56;
	v6 =	vmax.f32 v52, v56;
	v60, _, _ =	vpop (xrf1)  }
0x126: {  	v61 =	vmin.f32 v54, v53;
	v14 =	vmax.f32 v54, v53;
	v62 =	vmin.f32 v60, v55  }
0x127: {  	v63 =	vmin.f32 v61, v58;
	v0 =	vmax.f32 v51, v18;
	v28 =	vmin.f32 v62, v59  }
0x128: {  	v21 =	vmax.f32 v61, v58;
	v40 =	vmin.f32 v14, v0;
	v32 =	vmin.f32 v63, v28  }
0x129: {  	[tilespmem:s21+$0x8430] =	vst v5;
	v36 =	vmax.f32 v62, v59;
	v16 =	vmax.f32 v63, v28;
	(xrf1) =	vsort.ascd.msk.f32 $0xffff, v32, v32  }
0x12a: {  	[tilespmem:s21+$0x8000] =	vst v13;
	v20 =	vmax.f32 v60, v55;
	v39 =	vmin.f32 v21, v36;
	(xrf1) =	vsort.ascd.msk.f32 $0xffff, v16, v16  }
0x12b: {  	[tilespmem:s21+$0x8010] =	vst v7;
	v41 =	vmin.f32 v20, v6;
	v5 =	vmax.f32 v21, v36;
	(xrf1) =	vsort.ascd.msk.f32 $0xffff, v39, v39  }
0x12c: {  	[tilespmem:s21+$0x8020] =	vst v8;
	v0 =	vmax.f32 v14, v0;
	v42 =	vmin.f32 v40, v41;
	(xrf1) =	vsort.ascd.msk.f32 $0xffff, v5, v5  }
0x12d: {  	[tilespmem:s21+$0x8030] =	vst v19;
	v6 =	vmax.f32 v20, v6;
	v7 =	vmax.f32 v40, v41;
	(xrf1) =	vsort.ascd.msk.f32 $0xffff, v42, v42  }
0x12e: {  	[tilespmem:s21+$0x8040] =	vst v12;
	v43 =	vmin.f32 v47, v34;
	v44 =	vmin.f32 v0, v6;
	(xrf1) =	vsort.ascd.msk.f32 $0xffff, v7, v7  }
0x12f: {  	[tilespmem:s21+$0x8050] =	vst v9;
	v45 =	vmin.f32 v33, v35;
	v0 =	vmax.f32 v0, v6;
	(xrf1) =	vsort.ascd.msk.f32 $0xffff, v44, v44  }
0x130: {  	[tilespmem:s21+$0x8060] =	vst v4;
	v46 =	vmin.f32 v43, v45;
	(xrf1) =	vsort.ascd.msk.f32 $0xffff, v0, v0  }
0x131: {  	[tilespmem:s21+$0x8070] =	vst v17;
	v47 =	vmax.f32 v15, v30;
	v5 =	vmax.f32 v43, v45;
	(xrf1) =	vsort.ascd.msk.f32 $0xffff, v46, v46  }
0x132: {  	[tilespmem:s21+$0x8400] =	vst v11;
	v48 =	vmax.f32 v49, v31;
	v49 =	vmin.f32 v37, v38;
	(xrf1) =	vsort.ascd.msk.f32 $0xffff, v5, v5  }
0x133: {  	[tilespmem:s21+$0x8410] =	vst v10;
	v50 =	vmin.f32 v47, v48;
	(xrf1) =	vsort.ascd.msk.f32 $0xffff, v49, v49  }
0x134: {  	[tilespmem:s21+$0x8420] =	vst v2;
	v0 =	vmax.f32 v47, v48;
	(xrf1) =	vsort.ascd.msk.f32 $0xffff, v50, v50  }
0x135: {  	[tilespmem:s21+$0x8440] =	vst v1;
	(xrf1) =	vsort.ascd.msk.f32 $0xffff, v0, v0  }
0x136: {  	[tilespmem:s21+$0x8450] =	vst v3  }
0x137: {  	[tilespmem:s22+$0x8430] =	vst v57;
	v51, _, _ =	vpop (xrf1)  }
0x138: {  	[tilespmem:s22+$0x8000] =	vst v51;
	v52, _, _ =	vpop (xrf1)  }
0x139: {  	[tilespmem:s22+$0x8010] =	vst v52;
	v53, _, _ =	vpop (xrf1)  }
0x13a: {  	[tilespmem:s22+$0x8020] =	vst v53;
	v54, _, _ =	vpop (xrf1)  }
0x13b: {  	[tilespmem:s22+$0x8030] =	vst v54;
	v55, _, _ =	vpop (xrf1)  }
0x13c: {  	[tilespmem:s22+$0x8040] =	vst v55;
	v56, _, _ =	vpop (xrf1)  }
0x13d: {  	[tilespmem:s22+$0x8050] =	vst v56;
	v57, _, _ =	vpop (xrf1)  }
0x13e: {  	[tilespmem:s22+$0x8060] =	vst v57;
	v58, _, _ =	vpop (xrf1)  }
0x13f: {  	[tilespmem:s22+$0x8070] =	vst v58;
	v59, _, _ =	vpop (xrf1)  }
0x140: {  	p1 =	sne.s32 s18, $0x29;
	[tilespmem:s22+$0x8400] =	vst v59;
	v60, _, _ =	vpop (xrf1)  }
.Ltmp1:
0x141: {  	[tilespmem:s22+$0x8410] =	vst v60;
	v61, _, _ =	vpop (xrf1);
	(pc) =	sbr.rel @p1 .LBB2_6-.Ltmp1, $4  }
0x142: {  	s31 =	sadd.s32 s5, s20;
	[tilespmem:s22+$0x8420] =	vst v61;
	v62, _, _ =	vpop (xrf1)  }
0x143: {  	s21 =	sshrl.u32 s31, $0x3;
	[tilespmem:s22+$0x8440] =	vst v62;
	v63, _, _ =	vpop (xrf1)  }
0x144: {  	s21 =	sadd.s32 s3, s21;
	[tilespmem:s22+$0x8450] =	vst v63  }
0x145: {  	[hbm4b:s21+s4] =	stream.linear.scatter [tilespmem:s12], [sflag:$0x3], $0x4000, $0x38;
	[tilespmem:$0x10000] =	vst v63  }
.Ltmp2:
0x146: {  	(pc) =	sbr.rel .LBB2_7-.Ltmp2, $4  }
0x147: {  	_ = 	snop  }
0x148: {  	_ =	swait.ge [sflag:s13], $0x4000  }
0x149: {  	[sflag:s13] =	ssyncset.done $0x0  }
0x14a: {  	[sflag:s13] =	ssyncadd.s32 $0xFFFFC000  }
.LBB2_6:
0x14b: {  	s20 =	sadd.s32 s20, s8  }
0x14c: {  	s20 =	sshrl.u32 s20, $0x3  }
.Ltmp3:
0x14d: {  	s20 =	sadd.s32 s2, s20;
	(pc) =	sbr.rel @p0 .LBB2_8-.Ltmp3, $4  }
0x14e: {  	[tilespmem:s4], [sflag:$0x1] =	stream.linear.gather [hbm4b:s20+s4], $0x4000, $0x38;
	[tilespmem:$0x10000] =	vst v63  }
0x14f: {  	_ =	swait.ge [sflag:s13], $0x4000  }
0x150: {  	[sflag:s13] =	ssyncset.done $0x0  }
0x151: {  	[sflag:s13] =	ssyncadd.s32 $0xFFFFC000  }
.LBB2_7:
0x152: {  	_ =	swait.ge [sflag:s14], $0x4000  }
0x153: {  	[sflag:s14] =	ssyncset.done $0x0  }
0x154: {  	[sflag:s14] =	ssyncadd.s32 $0xFFFFC000  }
.LBB2_8:
0x155: {  	s20 =	simm.s32 $0x0  }
0x156: {  	s21 =	sand.u32 $0x3800, s20;
	s20 =	sand.u32 $0x380, s20  }
0x157: {  	s20 =	sor.u32 s20, s21  }
0x158: {  	v0 =	vld [tilespmem:s20+$0x4440]  }
0x159: {  	v1 =	vld [tilespmem:s20+$0x4450]  }
0x15a: {  	v2 =	vld [tilespmem:s20+$0x4000]  }
0x15b: {  	v3 =	vld [tilespmem:s20+$0x4010];
	_ =	sdelay $0x1  }
0x15c: {  	v4 =	vld [tilespmem:s20+$0x4020];
	(xrf1) =	vsort.ascd.msk.f32 $0xffff, v0, v0  }
0x15d: {  	v5 =	vld [tilespmem:s20+$0x4030];
	(xrf1) =	vsort.dscd.msk.f32 $0xffff, v1, v1  }
0x15e: {  	v0 =	vld [tilespmem:s20+$0x4040];
	(xrf1) =	vsort.ascd.msk.f32 $0xffff, v2, v2  }
0x15f: {  	v1 =	vld [tilespmem:s20+$0x4050];
	(xrf1) =	vsort.dscd.msk.f32 $0xffff, v3, v3  }
0x160: {  	v2 =	vld [tilespmem:s20+$0x4060]  }
0x161: {  	v3 =	vld [tilespmem:s20+$0x4070];
	(xrf1) =	vsort.ascd.msk.f32 $0xffff, v4, v4  }
0x162: {  	v4 =	vld [tilespmem:s20+$0x4400];
	(xrf1) =	vsort.dscd.msk.f32 $0xffff, v5, v5  }
0x163: {  	v5 =	vld [tilespmem:s20+$0x4410];
	(xrf1) =	vsort.ascd.msk.f32 $0xffff, v0, v0  }
0x164: {  	v0 =	vld [tilespmem:s20+$0x4420];
	(xrf1) =	vsort.dscd.msk.f32 $0xffff, v1, v1  }
0x165: {  	v1 =	vld [tilespmem:s20+$0x4430];
	(xrf1) =	vsort.ascd.msk.f32 $0xffff, v2, v2  }
0x166: {  	(xrf1) =	vsort.dscd.msk.f32 $0xffff, v3, v3  }
0x167: {  	(xrf1) =	vsort.ascd.msk.f32 $0xffff, v4, v4  }
0x168: {  	(xrf1) =	vsort.dscd.msk.f32 $0xffff, v5, v5  }
0x169: {  	(xrf1) =	vsort.ascd.msk.f32 $0xffff, v0, v0  }
0x16a: {  	(xrf1) =	vsort.dscd.msk.f32 $0xffff, v1, v1;
	v0, _, _ =	vpop (xrf1)  }
0x16b: {  	v1, _, _ =	vpop (xrf1)  }
0x16c: {  	v2, _, _ =	vpop (xrf1)  }
0x16d: {  	v3 =	vmin.f32 v0, v1;
	v0 =	vmax.f32 v0, v1;
	v4, _, _ =	vpop (xrf1)  }
0x16e: {  	(xrf1) =	vsort.ascd.msk.f32 $0xffff, v3, v3;
	v3 =	vmin.f32 v2, v4  }
0x16f: {  	v1, _, _ =	vpop (xrf1);
	(xrf1) =	vsort.ascd.msk.f32 $0xffff, v0, v0;
	v2 =	vmax.f32 v2, v4  }
0x170: {  	v0, _, _ =	vpop (xrf1);
	(xrf1) =	vsort.ascd.msk.f32 $0xffff, v3, v3  }
0x171: {  	v4 =	vmax.f32 v1, v0;
	v0 =	vmin.f32 v1, v0;
	v3, _, _ =	vpop (xrf1);
	(xrf1) =	vsort.ascd.msk.f32 $0xffff, v2, v2  }
0x172: {  	v2, _, _ =	vpop (xrf1);
	(xrf1) =	vsort.dscd.msk.f32 $0xffff, v4, v4  }
0x173: {  	v1, _, _ =	vpop (xrf1);
	v4 =	vmin.f32 v3, v2;
	(xrf1) =	vsort.dscd.msk.f32 $0xffff, v0, v0;
	v2 =	vmax.f32 v3, v2  }
0x174: {  	v0, _, _ =	vpop (xrf1);
	(xrf1) =	vsort.ascd.msk.f32 $0xffff, v4, v4  }
0x175: {  	v3, _, _ =	vpop (xrf1);
	v4 =	vmax.f32 v1, v0;
	(xrf1) =	vsort.ascd.msk.f32 $0xffff, v2, v2  }
0x176: {  	v0 =	vmin.f32 v1, v0;
	v2, _, _ =	vpop (xrf1);
	(xrf1) =	vsort.dscd.msk.f32 $0xffff, v4, v4  }
0x177: {  	v1, _, _ =	vpop (xrf1);
	v4 =	vmin.f32 v3, v2;
	(xrf1) =	vsort.dscd.msk.f32 $0xffff, v0, v0  }
0x178: {  	v0 =	vmax.f32 v3, v2;
	v2, _, _ =	vpop (xrf1);
	(xrf1) =	vsort.ascd.msk.f32 $0xffff, v4, v4  }
0x179: {  	v3 =	vmax.f32 v1, v2;
	(xrf1) =	vsort.ascd.msk.f32 $0xffff, v0, v0;
	v0 =	vmin.f32 v1, v2  }
0x17a: {  	(xrf1) =	vsort.dscd.msk.f32 $0xffff, v3, v3  }
0x17b: {  	(xrf1) =	vsort.dscd.msk.f32 $0xffff, v0, v0  }
0x17c: {  	v0, _, _ =	vpop (xrf1)  }
0x17d: {  	v1, _, _ =	vpop (xrf1)  }
0x17e: {  	v2, _, _ =	vpop (xrf1)  }
0x17f: {  	v3, _, _ =	vpop (xrf1)  }
0x180: {  	v4, _, _ =	vpop (xrf1)  }
0x181: {  	v5, _, _ =	vpop (xrf1)  }
0x182: {  	v7 =	vmin.f32 v0, v1;
	v0 =	vmax.f32 v0, v1;
	v6, _, _ =	vpop (xrf1)  }
0x183: {  	(xrf1) =	vsort.dscd.msk.f32 $0xffff, v0, v0;
	v1, _, _ =	vpop (xrf1)  }
0x184: {  	(xrf1) =	vsort.dscd.msk.f32 $0xffff, v7, v7;
	v8 =	vmin.f32 v2, v4;
	v9 =	vmin.f32 v3, v5;
	v10, _, _ =	vpop (xrf1)  }
0x185: {  	v0 =	vmax.f32 v2, v4;
	v3 =	vmax.f32 v3, v5;
	v2 =	vmin.f32 v8, v9;
	v4, _, _ =	vpop (xrf1)  }
0x186: {  	v5 =	vmax.f32 v8, v9;
	(xrf1) =	vsort.ascd.msk.f32 $0xffff, v2, v2;
	v7, _, _ =	vpop (xrf1)  }
0x187: {  	v8 =	vmin.f32 v0, v3;
	v0 =	vmax.f32 v0, v3;
	(xrf1) =	vsort.ascd.msk.f32 $0xffff, v5, v5;
	v9, _, _ =	vpop (xrf1)  }
0x188: {  	v2 =	vmax.f32 v6, v10;
	v5 =	vmax.f32 v1, v4;
	(xrf1) =	vsort.ascd.msk.f32 $0xffff, v8, v8;
	v3, _, _ =	vpop (xrf1)  }
0x189: {  	v11 =	vmax.f32 v2, v5;
	(xrf1) =	vsort.ascd.msk.f32 $0xffff, v0, v0;
	v2 =	vmin.f32 v2, v5;
	v12, _, _ =	vpop (xrf1)  }
0x18a: {  	(xrf1) =	vsort.dscd.msk.f32 $0xffff, v11, v11;
	v8 =	vmax.f32 v7, v3;
	v0 =	vmax.f32 v9, v12  }
0x18b: {  	v5 =	vmin.f32 v6, v10;
	(xrf1) =	vsort.dscd.msk.f32 $0xffff, v2, v2;
	v6 =	vmin.f32 v8, v0  }
0x18c: {  	v1 =	vmin.f32 v1, v4;
	v0 =	vmax.f32 v8, v0;
	(xrf1) =	vsort.ascd.msk.f32 $0xffff, v6, v6  }
0x18d: {  	v2 =	vmax.f32 v5, v1;
	(xrf1) =	vsort.ascd.msk.f32 $0xffff, v0, v0  }
0x18e: {  	(xrf1) =	vsort.dscd.msk.f32 $0xffff, v2, v2  }
0x18f: {  	v0 =	vmin.f32 v5, v1  }
0x190: {  	(xrf1) =	vsort.dscd.msk.f32 $0xffff, v0, v0;
	_ =	sdelay $0x1  }
0x191: {  	v0, _, _ =	vpop (xrf1)  }
0x192: {  	v1, _, _ =	vpop (xrf1)  }
0x193: {  	v2 =	vmin.f32 v7, v3;
	v3 =	vmin.f32 v9, v12;
	v4, _, _ =	vpop (xrf1)  }
0x194: {  	v5 =	vmin.f32 v2, v3;
	v6, _, _ =	vpop (xrf1)  }
0x195: {  	v2 =	vmax.f32 v2, v3;
	(xrf1) =	vsort.ascd.msk.f32 $0xffff, v5, v5;
	v7, _, _ =	vpop (xrf1)  }
0x196: {  	(xrf1) =	vsort.ascd.msk.f32 $0xffff, v2, v2;
	v3, _, _ =	vpop (xrf1)  }
0x197: {  	v5, _, _ =	vpop (xrf1)  }
0x198: {  	v2, _, _ =	vpop (xrf1)  }
0x199: {  	v8, _, _ =	vpop (xrf1)  }
0x19a: {  	v10 =	vmin.f32 v4, v5;
	v4 =	vmax.f32 v4, v5;
	v5 =	vmin.f32 v6, v2;
	v9, _, _ =	vpop (xrf1)  }
0x19b: {  	v2 =	vmax.f32 v6, v2;
	v11 =	vmax.f32 v8, v0;
	v0 =	vmin.f32 v8, v0;
	v13, _, _ =	vpop (xrf1)  }
0x19c: {  	v12 =	vmax.f32 v9, v1;
	v1 =	vmin.f32 v9, v1;
	v14 =	vmin.f32 v7, v13  }
0x19d: {  	v6, _, _ =	vpop (xrf1);
	v7 =	vmax.f32 v7, v13;
	v8 =	vmin.f32 v11, v12;
	v9 =	vmax.f32 v11, v12  }
0x19e: {  	v13 =	vmin.f32 v3, v6;
	v3 =	vmax.f32 v3, v6;
	v6 =	vmax.f32 v10, v14  }
0x19f: {  	v12 =	vmin.f32 v4, v7;
	(xrf1) =	vsort.dscd.msk.f32 $0xffff, v9, v9;
	v11 =	vmax.f32 v5, v13  }
0x1a0: {  	v4 =	vmax.f32 v4, v7;
	(xrf1) =	vsort.dscd.msk.f32 $0xffff, v8, v8;
	v7 =	vmin.f32 v6, v11  }
0x1a1: {  	v8 =	vmin.f32 v2, v3;
	v6 =	vmax.f32 v6, v11;
	(xrf1) =	vsort.ascd.msk.f32 $0xffff, v7, v7  }
0x1a2: {  	v2 =	vmax.f32 v2, v3;
	v3 =	vmin.f32 v12, v8;
	(xrf1) =	vsort.ascd.msk.f32 $0xffff, v6, v6  }
0x1a3: {  	s31 =	simm.s32 $0x100;
	s22 =	simm.s32 $0x80;
	v8 =	vmax.f32 v12, v8;
	v7, _, _ =	vpop (xrf1);
	(xrf1) =	vsort.ascd.msk.f32 $0xffff, v3, v3;
	v3 =	vmin.f32 v4, v2  }
0x1a4: {  	s23 =	sand.u32 $0x380, s22;
	s21 =	sand.u32 $0x3800, s31;
	v6 =	vmin.f32 v7, v0;
	v0 =	vmax.f32 v7, v0;
	v7, _, _ =	vpop (xrf1);
	(xrf1) =	vsort.ascd.msk.f32 $0xffff, v8, v8  }
0x1a5: {  	s21 =	sor.u32 s23, s21;
	v2 =	vmax.f32 v4, v2;
	v8 =	vmax.f32 v7, v1;
	(xrf1) =	vsort.ascd.msk.f32 $0xffff, v3, v3  }
0x1a6: {  	v3 =	vld [tilespmem:s21+$0x4440];
	v1 =	vmin.f32 v7, v1;
	v4 =	vmax.f32 v0, v8;
	(xrf1) =	vsort.ascd.msk.f32 $0xffff, v2, v2  }
0x1a7: {  	v2 =	vld [tilespmem:s21+$0x4450];
	v7 =	vmax.f32 v6, v1;
	(xrf1) =	vsort.dscd.msk.f32 $0xffff, v4, v4  }
0x1a8: {  	v1 =	vmin.f32 v6, v1;
	v4 =	vld [tilespmem:s21+$0x4000];
	(xrf1) =	vsort.dscd.msk.f32 $0xffff, v7, v7  }
0x1a9: {  	v6 =	vld [tilespmem:s21+$0x4010];
	v0 =	vmin.f32 v0, v8;
	(xrf1) =	vsort.dscd.msk.f32 $0xffff, v1, v1  }
0x1aa: {  	v1 =	vld [tilespmem:s21+$0x4020];
	(xrf1) =	vsort.dscd.msk.f32 $0xffff, v0, v0  }
0x1ab: {  	v0 =	vld [tilespmem:s21+$0x4030];
	(xrf1) =	vsort.ascd.msk.f32 $0xffff, v3, v3  }
0x1ac: {  	v3 =	vld [tilespmem:s21+$0x4040];
	(xrf1) =	vsort.dscd.msk.f32 $0xffff, v2, v2  }
0x1ad: {  	v2 =	vld [tilespmem:s21+$0x4050];
	(xrf1) =	vsort.ascd.msk.f32 $0xffff, v4, v4;
	v4, _, _ =	vpop (xrf1)  }
0x1ae: {  	v7 =	vld [tilespmem:s21+$0x4060];
	(xrf1) =	vsort.dscd.msk.f32 $0xffff, v6, v6;
	v6, _, _ =	vpop (xrf1)  }
0x1af: {  	v8 =	vld [tilespmem:s21+$0x4070];
	(xrf1) =	vsort.ascd.msk.f32 $0xffff, v1, v1;
	v1, _, _ =	vpop (xrf1)  }
0x1b0: {  	v9 =	vld [tilespmem:s21+$0x4400];
	(xrf1) =	vsort.dscd.msk.f32 $0xffff, v0, v0;
	v0, _, _ =	vpop (xrf1)  }
0x1b1: {  	v11 =	vld [tilespmem:s21+$0x4410];
	(xrf1) =	vsort.ascd.msk.f32 $0xffff, v3, v3;
	v3, _, _ =	vpop (xrf1)  }
0x1b2: {  	v12 =	vld [tilespmem:s21+$0x4420];
	(xrf1) =	vsort.dscd.msk.f32 $0xffff, v2, v2;
	v15, _, _ =	vpop (xrf1);
	v2 =	vmin.f32 v10, v14  }
0x1b3: {  	(xrf1) =	vsort.ascd.msk.f32 $0xffff, v7, v7;
	v10, _, _ =	vpop (xrf1)  }
0x1b4: {  	v5 =	vmin.f32 v5, v13;
	v17 =	vmin.f32 v1, v4;
	(xrf1) =	vsort.dscd.msk.f32 $0xffff, v8, v8;
	v14, _, _ =	vpop (xrf1)  }
0x1b5: {  	v13 =	vmin.f32 v2, v5;
	v16 =	vmax.f32 v2, v5;
	(xrf1) =	vsort.ascd.msk.f32 $0xffff, v9, v9;
	v2, _, _ =	vpop (xrf1)  }
0x1b6: {  	v1 =	vmax.f32 v1, v4;
	v20 =	vmin.f32 v0, v6;
	v5 =	vld [tilespmem:s21+$0x4430];
	(xrf1) =	vsort.dscd.msk.f32 $0xffff, v11, v11;
	v18, _, _ =	vpop (xrf1)  }
0x1b7: {  	v0 =	vmax.f32 v0, v6;
	v8 =	vmin.f32 v3, v2;
	(xrf1) =	vsort.ascd.msk.f32 $0xffff, v12, v12;
	v12, _, _ =	vpop (xrf1)  }
0x1b8: {  	v21 =	vmax.f32 v3, v2;
	v6 =	vmax.f32 v10, v18;
	v2 =	vmax.f32 v14, v12;
	v7, _, _ =	vpop (xrf1)  }
0x1b9: {  	v22 =	vmin.f32 v1, v6;
	v9 =	vmax.f32 v15, v7;
	v11 =	vmin.f32 v0, v2  }
0x1ba: {  	v19, _, _ =	vpop (xrf1);
	v3 =	vmax.f32 v21, v22;
	v4 =	vmax.f32 v9, v11  }
0x1bb: {  	(xrf1) =	vsort.dscd.msk.f32 $0xffff, v5, v5;
	v23, _, _ =	vpop (xrf1);
	v5 =	vmax.f32 v3, v4  }
0x1bc: {  	v10 =	vmin.f32 v10, v18;
	(xrf1) =	vsort.ascd.msk.f32 $0xffff, v13, v13;
	v24, _, _ =	vpop (xrf1)  }
0x1bd: {  	v12 =	vmin.f32 v14, v12;
	v7 =	vmin.f32 v15, v7;
	v25, _, _ =	vpop (xrf1);
	(xrf1) =	vsort.ascd.msk.f32 $0xffff, v5, v5  }
0x1be: {  	v13 =	vmin.f32 v17, v10;
	v14 =	vmin.f32 v19, v23;
	(xrf1) =	vsort.ascd.msk.f32 $0xffff, v16, v16;
	v5, _, _ =	vpop (xrf1)  }
0x1bf: {  	v10 =	vmax.f32 v17, v10;
	v15 =	vmax.f32 v19, v23;
	(xrf1) =	vsort.ascd.msk.f32 $0xffff, v14, v14;
	v18, _, _ =	vpop (xrf1)  }
0x1c0: {  	v23 =	vmax.f32 v24, v25;
	v14 =	vmin.f32 v24, v25;
	(xrf1) =	vsort.ascd.msk.f32 $0xffff, v15, v15;
	v16, _, _ =	vpop (xrf1)  }
0x1c1: {  	v15 =	vmin.f32 v20, v12;
	v12 =	vmax.f32 v20, v12;
	(xrf1) =	vsort.ascd.msk.f32 $0xffff, v14, v14;
	v19, _, _ =	vpop (xrf1)  }
0x1c2: {  	s23 =	simm.s32 $0x200;
	v20 =	vmax.f32 v5, v18;
	v14 =	vmin.f32 v21, v22;
	(xrf1) =	vsort.ascd.msk.f32 $0xffff, v23, v23;
	v17, _, _ =	vpop (xrf1)  }
.LBB2_9:
0x1c3: {  	p0 =	sne.s32 s23, $0x3F00;
	v5 =	vmin.f32 v5, v18;
	v18, _, _ =	vpop (xrf1);
	(xrf1) =	vsort.dscd.msk.f32 $0xffff, v20, v20;
	v9 =	vmin.f32 v9, v11  }
0x1c4: {  	v11 =	vmin.f32 v16, v19;
	v6 =	vmax.f32 v1, v6;
	v20, _, _ =	vpop (xrf1);
	(xrf1) =	vsort.dscd.msk.f32 $0xffff, v5, v5  }
0x1c5: {  	v1 =	vmax.f32 v16, v19;
	v16, _, _ =	vpop (xrf1);
	(xrf1) =	vsort.ascd.msk.f32 $0xffff, v11, v11;
	v11 =	vmax.f32 v0, v2  }
0x1c6: {  	v5 =	vmin.f32 v14, v9;
	v0 =	vmax.f32 v17, v18;
	v19, _, _ =	vpop (xrf1);
	(xrf1) =	vsort.ascd.msk.f32 $0xffff, v1, v1  }
0x1c7: {  	v2 =	vmin.f32 v17, v18;
	v1 =	vmax.f32 v14, v9;
	(xrf1) =	vsort.dscd.msk.f32 $0xffff, v0, v0  }
0x1c8: {  	v9 =	vmin.f32 v20, v16;
	v0 =	vmin.f32 v3, v4;
	(xrf1) =	vsort.dscd.msk.f32 $0xffff, v2, v2  }
0x1c9: {  	v3 =	vmax.f32 v20, v16;
	v2 =	vmin.f32 v6, v11;
	v4, _, _ =	vpop (xrf1);
	(xrf1) =	vsort.ascd.msk.f32 $0xffff, v9, v9  }
0x1ca: {  	v9 =	vmax.f32 v19, v4;
	(xrf1) =	vsort.ascd.msk.f32 $0xffff, v3, v3;
	v3 =	vmax.f32 v6, v11;
	v6, _, _ =	vpop (xrf1)  }
0x1cb: {  	v4 =	vmin.f32 v19, v4;
	(xrf1) =	vsort.dscd.msk.f32 $0xffff, v9, v9;
	v9 =	vmin.f32 v6, v8;
	v11, _, _ =	vpop (xrf1)  }
0x1cc: {  	(xrf1) =	vsort.dscd.msk.f32 $0xffff, v4, v4;
	v4 =	vmax.f32 v6, v8;
	v6 =	vmin.f32 v9, v13;
	[tilespmem:s20+$0xC430] =	vst v11;
	v8, _, _ =	vpop (xrf1)  }
0x1cd: {  	v11, _, _ =	vpop (xrf1);
	v14 =	vmin.f32 v8, v7;
	v7 =	vmax.f32 v8, v7;
	v8 =	vmax.f32 v9, v13  }
0x1ce: {  	v9, _, _ =	vpop (xrf1);
	v13 =	vmin.f32 v14, v15;
	v14 =	vmax.f32 v14, v15;
	v15 =	vmin.f32 v4, v10  }
0x1cf: {  	v4 =	vmax.f32 v4, v10;
	v10 =	vmin.f32 v7, v12;
	v7 =	vmax.f32 v7, v12;
	v16, _, _ =	vpop (xrf1)  }
0x1d0: {  	v17 =	vmin.f32 v6, v13;
	v6 =	vmax.f32 v6, v13;
	v13 =	vmin.f32 v8, v14;
	v12, _, _ =	vpop (xrf1)  }
0x1d1: {  	v8 =	vmax.f32 v8, v14;
	v14 =	vmin.f32 v15, v10;
	v10 =	vmax.f32 v15, v10;
	v18, _, _ =	vpop (xrf1)  }
0x1d2: {  	v19 =	vmin.f32 v4, v7;
	v4 =	vmax.f32 v4, v7;
	v15, _, _ =	vpop (xrf1);
	(xrf1) =	vsort.ascd.msk.f32 $0xffff, v17, v17  }
0x1d3: {  	v7, _, _ =	vpop (xrf1);
	(xrf1) =	vsort.ascd.msk.f32 $0xffff, v6, v6  }
0x1d4: {  	v6 =	vmin.f32 v11, v9;
	v9 =	vmax.f32 v11, v9;
	v11, _, _ =	vpop (xrf1);
	(xrf1) =	vsort.ascd.msk.f32 $0xffff, v13, v13  }
0x1d5: {  	v21 =	vmin.f32 v16, v18;
	v17 =	vmin.f32 v12, v15;
	v20, _, _ =	vpop (xrf1);
	(xrf1) =	vsort.dscd.msk.f32 $0xffff, v9, v9  }
0x1d6: {  	v9 =	vmax.f32 v16, v18;
	v16 =	vmin.f32 v21, v17;
	v18, _, _ =	vpop (xrf1);
	(xrf1) =	vsort.dscd.msk.f32 $0xffff, v6, v6  }
0x1d7: {  	v6 =	vmax.f32 v12, v15;
	v12 =	vmax.f32 v21, v17;
	v13, _, _ =	vpop (xrf1);
	(xrf1) =	vsort.ascd.msk.f32 $0xffff, v16, v16  }
0x1d8: {  	v15 =	vmax.f32 v7, v20;
	v16 =	vmin.f32 v9, v6;
	v17, _, _ =	vpop (xrf1);
	(xrf1) =	vsort.ascd.msk.f32 $0xffff, v12, v12  }
0x1d9: {  	v6 =	vmax.f32 v9, v6;
	v12 =	vmax.f32 v11, v18;
	v9, _, _ =	vpop (xrf1);
	(xrf1) =	vsort.ascd.msk.f32 $0xffff, v16, v16  }
0x1da: {  	v21 =	vmax.f32 v15, v12;
	v16 =	vmax.f32 v13, v9;
	v22, _, _ =	vpop (xrf1);
	(xrf1) =	vsort.ascd.msk.f32 $0xffff, v6, v6  }
0x1db: {  	v12 =	vmin.f32 v15, v12;
	v6 =	vmax.f32 v17, v22;
	(xrf1) =	vsort.dscd.msk.f32 $0xffff, v21, v21  }
0x1dc: {  	v7 =	vmin.f32 v7, v20;
	v15 =	vmin.f32 v16, v6;
	(xrf1) =	vsort.dscd.msk.f32 $0xffff, v12, v12  }
0x1dd: {  	v11 =	vmin.f32 v11, v18;
	v6 =	vmax.f32 v16, v6;
	(xrf1) =	vsort.ascd.msk.f32 $0xffff, v15, v15  }
0x1de: {  	v12 =	vmax.f32 v7, v11;
	(xrf1) =	vsort.ascd.msk.f32 $0xffff, v6, v6  }
0x1df: {  	v7 =	vmin.f32 v7, v11;
	(xrf1) =	vsort.dscd.msk.f32 $0xffff, v12, v12  }
0x1e0: {  	(xrf1) =	vsort.dscd.msk.f32 $0xffff, v7, v7;
	v6, _, _ =	vpop (xrf1)  }
0x1e1: {  	[tilespmem:s20+$0xC000] =	vst v6;
	v6, _, _ =	vpop (xrf1);
	(xrf1) =	vsort.ascd.msk.f32 $0xffff, v8, v8  }
0x1e2: {  	[tilespmem:s20+$0xC010] =	vst v6;
	v6, _, _ =	vpop (xrf1);
	(xrf1) =	vsort.ascd.msk.f32 $0xffff, v14, v14  }
0x1e3: {  	v7, _, _ =	vpop (xrf1);
	[tilespmem:s20+$0xC020] =	vst v6;
	(xrf1) =	vsort.ascd.msk.f32 $0xffff, v10, v10  }
0x1e4: {  	v6, _, _ =	vpop (xrf1);
	(xrf1) =	vsort.ascd.msk.f32 $0xffff, v19, v19  }
0x1e5: {  	v8 =	vmin.f32 v13, v9;
	v9 =	vmin.f32 v17, v22;
	v10, _, _ =	vpop (xrf1);
	(xrf1) =	vsort.ascd.msk.f32 $0xffff, v4, v4  }
0x1e6: {  	v4 =	vmin.f32 v8, v9;
	v11, _, _ =	vpop (xrf1);
	(xrf1) =	vsort.ascd.msk.f32 $0xffff, v5, v5  }
0x1e7: {  	v5, _, _ =	vpop (xrf1);
	(xrf1) =	vsort.ascd.msk.f32 $0xffff, v4, v4  }
0x1e8: {  	v9 =	vmax.f32 v8, v9;
	v8, _, _ =	vpop (xrf1);
	(xrf1) =	vsort.ascd.msk.f32 $0xffff, v1, v1  }
0x1e9: {  	v1, _, _ =	vpop (xrf1);
	(xrf1) =	vsort.ascd.msk.f32 $0xffff, v9, v9  }
0x1ea: {  	v4, _, _ =	vpop (xrf1);
	(xrf1) =	vsort.ascd.msk.f32 $0xffff, v0, v0  }
0x1eb: {  	v0, _, _ =	vpop (xrf1);
	(xrf1) =	vsort.ascd.msk.f32 $0xffff, v2, v2  }
0x1ec: {  	v2, _, _ =	vpop (xrf1);
	(xrf1) =	vsort.ascd.msk.f32 $0xffff, v3, v3  }
0x1ed: {  	v3 =	vmin.f32 v10, v1;
	v9 =	vmax.f32 v0, v7;
	v12 =	vmax.f32 v2, v6;
	v13, _, _ =	vpop (xrf1)  }
0x1ee: {  	v1 =	vmax.f32 v10, v1;
	v10 =	vmin.f32 v11, v4;
	v4 =	vmax.f32 v11, v4;
	v11, _, _ =	vpop (xrf1)  }
0x1ef: {  	v14 =	vmin.f32 v5, v13;
	v5 =	vmax.f32 v5, v13;
	v13 =	vmin.f32 v8, v11;
	v15, _, _ =	vpop (xrf1)  }
0x1f0: {  	v0 =	vmin.f32 v0, v7;
	v2 =	vmin.f32 v2, v6;
	v8 =	vmax.f32 v8, v11;
	[tilespmem:s20+$0xC030] =	vst v15;
	v6, _, _ =	vpop (xrf1)  }
0x1f1: {  	v7 =	vmax.f32 v3, v14;
	v11 =	vmin.f32 v9, v12;
	v9 =	vmax.f32 v9, v12;
	[tilespmem:s20+$0xC040] =	vst v6;
	v6, _, _ =	vpop (xrf1)  }
0x1f2: {  	v12 =	vmax.f32 v10, v13;
	v15 =	vmin.f32 v1, v5;
	(xrf1) =	vsort.dscd.msk.f32 $0xffff, v9, v9;
	[tilespmem:s20+$0xC050] =	vst v6;
	v6, _, _ =	vpop (xrf1)  }
0x1f3: {  	v1 =	vmax.f32 v1, v5;
	v16 =	vmin.f32 v7, v12;
	(xrf1) =	vsort.dscd.msk.f32 $0xffff, v11, v11;
	[tilespmem:s20+$0xC060] =	vst v6;
	v6, _, _ =	vpop (xrf1)  }
0x1f4: {  	v7 =	vmax.f32 v7, v12;
	v9 =	vmin.f32 v4, v8;
	(xrf1) =	vsort.ascd.msk.f32 $0xffff, v16, v16;
	[tilespmem:s20+$0xC070] =	vst v6;
	v5, _, _ =	vpop (xrf1)  }
0x1f5: {  	v4 =	vmax.f32 v4, v8;
	v11 =	vmin.f32 v15, v9;
	v8, _, _ =	vpop (xrf1);
	(xrf1) =	vsort.ascd.msk.f32 $0xffff, v7, v7;
	[tilespmem:s20+$0xC400] =	vst v5  }
0x1f6: {  	s22 =	sadd.s32 $0x80, s22;
	v7 =	vmax.f32 v15, v9;
	v5 =	vmin.f32 v8, v0;
	(xrf1) =	vsort.ascd.msk.f32 $0xffff, v11, v11;
	v6, _, _ =	vpop (xrf1)  }
0x1f7: {  	s24 =	sand.u32 $0x3800, s23;
	s25 =	sand.u32 $0x380, s22;
	v0 =	vmax.f32 v8, v0;
	v8 =	vmin.f32 v1, v4;
	v9, _, _ =	vpop (xrf1);
	(xrf1) =	vsort.ascd.msk.f32 $0xffff, v7, v7;
	[tilespmem:s20+$0xC410] =	vst v6  }
0x1f8: {  	s24 =	sor.u32 s25, s24;
	v11 =	vmax.f32 v1, v4;
	v6 =	vmax.f32 v9, v2;
	(xrf1) =	vsort.ascd.msk.f32 $0xffff, v8, v8;
	v4, _, _ =	vpop (xrf1)  }
0x1f9: {  	v2 =	vmin.f32 v9, v2;
	v7 =	vld [tilespmem:s24+$0x4440];
	v8 =	vmax.f32 v0, v6;
	(xrf1) =	vsort.ascd.msk.f32 $0xffff, v11, v11;
	[tilespmem:s20+$0xC420] =	vst v4;
	v1, _, _ =	vpop (xrf1)  }
0x1fa: {  	v3 =	vmin.f32 v3, v14;
	v9 =	vmax.f32 v5, v2;
	v4 =	vld [tilespmem:s24+$0x4450];
	(xrf1) =	vsort.dscd.msk.f32 $0xffff, v8, v8;
	[tilespmem:s20+$0xC440] =	vst v1;
	v1, _, _ =	vpop (xrf1)  }
0x1fb: {  	v10 =	vmin.f32 v10, v13;
	v2 =	vmin.f32 v5, v2;
	v8 =	vld [tilespmem:s24+$0x4000];
	(xrf1) =	vsort.dscd.msk.f32 $0xffff, v9, v9;
	[tilespmem:s20+$0xC450] =	vst v1;
	s20 =	smov.u32 s21;
	s21 =	smov.u32 s24  }
0x1fc: {  	v5 =	vmin.f32 v3, v10;
	v0 =	vmin.f32 v0, v6;
	v1 =	vld [tilespmem:s21+$0x4010];
	(xrf1) =	vsort.dscd.msk.f32 $0xffff, v2, v2  }
0x1fd: {  	v10 =	vmax.f32 v3, v10;
	v2 =	vld [tilespmem:s21+$0x4020];
	(xrf1) =	vsort.dscd.msk.f32 $0xffff, v0, v0  }
0x1fe: {  	v0 =	vld [tilespmem:s21+$0x4030];
	(xrf1) =	vsort.ascd.msk.f32 $0xffff, v7, v7  }
0x1ff: {  	v3 =	vld [tilespmem:s21+$0x4040];
	(xrf1) =	vsort.dscd.msk.f32 $0xffff, v4, v4  }
0x200: {  	v4 =	vld [tilespmem:s21+$0x4050];
	(xrf1) =	vsort.ascd.msk.f32 $0xffff, v8, v8;
	v6, _, _ =	vpop (xrf1)  }
0x201: {  	v7 =	vld [tilespmem:s21+$0x4060];
	(xrf1) =	vsort.dscd.msk.f32 $0xffff, v1, v1;
	v9, _, _ =	vpop (xrf1)  }
0x202: {  	v1 =	vld [tilespmem:s21+$0x4070];
	(xrf1) =	vsort.ascd.msk.f32 $0xffff, v2, v2;
	v2, _, _ =	vpop (xrf1)  }
0x203: {  	v8 =	vld [tilespmem:s21+$0x4400];
	(xrf1) =	vsort.dscd.msk.f32 $0xffff, v0, v0;
	v12 =	vmin.f32 v2, v6;
	v0, _, _ =	vpop (xrf1)  }
0x204: {  	v11 =	vld [tilespmem:s21+$0x4410];
	(xrf1) =	vsort.ascd.msk.f32 $0xffff, v3, v3;
	v14 =	vmin.f32 v0, v9;
	v3, _, _ =	vpop (xrf1)  }
0x205: {  	v13 =	vld [tilespmem:s21+$0x4420];
	(xrf1) =	vsort.dscd.msk.f32 $0xffff, v4, v4;
	v15, _, _ =	vpop (xrf1)  }
0x206: {  	(xrf1) =	vsort.ascd.msk.f32 $0xffff, v7, v7;
	v16, _, _ =	vpop (xrf1)  }
0x207: {  	(xrf1) =	vsort.dscd.msk.f32 $0xffff, v1, v1;
	v17, _, _ =	vpop (xrf1)  }
0x208: {  	v4 =	vld [tilespmem:s21+$0x4430];
	(xrf1) =	vsort.ascd.msk.f32 $0xffff, v8, v8;
	v7, _, _ =	vpop (xrf1)  }
0x209: {  	(xrf1) =	vsort.dscd.msk.f32 $0xffff, v11, v11;
	v8 =	vmin.f32 v3, v7;
	v18, _, _ =	vpop (xrf1)  }
0x20a: {  	v1 =	vmax.f32 v2, v6;
	v21 =	vmax.f32 v3, v7;
	(xrf1) =	vsort.ascd.msk.f32 $0xffff, v13, v13;
	v13, _, _ =	vpop (xrf1)  }
0x20b: {  	v0 =	vmax.f32 v0, v9;
	v6 =	vmax.f32 v16, v18;
	v2 =	vmax.f32 v17, v13;
	v7, _, _ =	vpop (xrf1)  }
0x20c: {  	v22 =	vmin.f32 v1, v6;
	v19, _, _ =	vpop (xrf1);
	v9 =	vmax.f32 v15, v7;
	v11 =	vmin.f32 v0, v2  }
0x20d: {  	v3 =	vmax.f32 v21, v22;
	(xrf1) =	vsort.dscd.msk.f32 $0xffff, v4, v4;
	v20, _, _ =	vpop (xrf1);
	v4 =	vmax.f32 v9, v11  }
0x20e: {  	v7 =	vmin.f32 v15, v7;
	v23, _, _ =	vpop (xrf1);
	v15 =	vmax.f32 v3, v4;
	(xrf1) =	vsort.ascd.msk.f32 $0xffff, v5, v5  }
0x20f: {  	v16 =	vmin.f32 v16, v18;
	v17 =	vmin.f32 v17, v13;
	v24, _, _ =	vpop (xrf1);
	(xrf1) =	vsort.ascd.msk.f32 $0xffff, v15, v15  }
.Ltmp4:
0x210: {  	v13 =	vmin.f32 v12, v16;
	v15 =	vmin.f32 v19, v20;
	v5, _, _ =	vpop (xrf1);
	(xrf1) =	vsort.ascd.msk.f32 $0xffff, v10, v10;
	(pc) =	sbr.rel @p0 .LBB2_9-.Ltmp4, $4  }
0x211: {  	v20 =	vmax.f32 v19, v20;
	v10 =	vmax.f32 v12, v16;
	v18, _, _ =	vpop (xrf1);
	(xrf1) =	vsort.ascd.msk.f32 $0xffff, v15, v15  }
0x212: {  	v12 =	vmin.f32 v23, v24;
	v15 =	vmin.f32 v14, v17;
	v16, _, _ =	vpop (xrf1);
	(xrf1) =	vsort.ascd.msk.f32 $0xffff, v20, v20  }
0x213: {  	v23 =	vmax.f32 v23, v24;
	v19, _, _ =	vpop (xrf1);
	(xrf1) =	vsort.ascd.msk.f32 $0xffff, v12, v12;
	v12 =	vmax.f32 v14, v17  }
0x214: {  	s23 =	sadd.s32 $0x100, s23;
	v20 =	vmax.f32 v5, v18;
	v14 =	vmin.f32 v21, v22;
	v17, _, _ =	vpop (xrf1);
	(xrf1) =	vsort.ascd.msk.f32 $0xffff, v23, v23  }
0x215: {  	v5 =	vmin.f32 v5, v18;
	(xrf1) =	vsort.dscd.msk.f32 $0xffff, v20, v20  }
0x216: {  	v42 =	vmin.f32 v16, v19;
	(xrf1) =	vsort.dscd.msk.f32 $0xffff, v5, v5  }
0x217: {  	v43, _, _ =	vpop (xrf1);
	v44 =	vmax.f32 v16, v19;
	(xrf1) =	vsort.ascd.msk.f32 $0xffff, v42, v42  }
0x218: {  	v45, _, _ =	vpop (xrf1);
	v46 =	vmax.f32 v17, v43;
	(xrf1) =	vsort.ascd.msk.f32 $0xffff, v44, v44  }
0x219: {  	v5 =	vmin.f32 v17, v43;
	v47, _, _ =	vpop (xrf1);
	(xrf1) =	vsort.dscd.msk.f32 $0xffff, v46, v46  }
0x21a: {  	v48, _, _ =	vpop (xrf1);
	v49 =	vmin.f32 v45, v47;
	(xrf1) =	vsort.dscd.msk.f32 $0xffff, v5, v5  }
0x21b: {  	v50 =	vmax.f32 v45, v47;
	v51, _, _ =	vpop (xrf1);
	(xrf1) =	vsort.ascd.msk.f32 $0xffff, v49, v49  }
0x21c: {  	v52 =	vmax.f32 v48, v51;
	(xrf1) =	vsort.ascd.msk.f32 $0xffff, v50, v50;
	v53, _, _ =	vpop (xrf1)  }
0x21d: {  	v16 =	vmin.f32 v48, v51;
	(xrf1) =	vsort.dscd.msk.f32 $0xffff, v52, v52;
	v5, _, _ =	vpop (xrf1)  }
0x21e: {  	(xrf1) =	vsort.dscd.msk.f32 $0xffff, v16, v16;
	v54, _, _ =	vpop (xrf1)  }
0x21f: {  	v55, _, _ =	vpop (xrf1)  }
0x220: {  	v56, _, _ =	vpop (xrf1)  }
0x221: {  	v57 =	vmin.f32 v53, v8;
	v21 =	vmin.f32 v54, v7;
	v22, _, _ =	vpop (xrf1)  }
0x222: {  	v23 =	vmin.f32 v57, v13;
	v24 =	vmin.f32 v21, v15;
	v25, _, _ =	vpop (xrf1)  }
0x223: {  	v58 =	vmax.f32 v57, v13;
	v59 =	vmin.f32 v23, v24;
	v26, _, _ =	vpop (xrf1)  }
0x224: {  	v60 =	vmax.f32 v21, v15;
	v61 =	vmax.f32 v23, v24;
	(xrf1) =	vsort.ascd.msk.f32 $0xffff, v59, v59;
	v62, _, _ =	vpop (xrf1)  }
0x225: {  	v63 =	vmax.f32 v53, v8;
	v31 =	vmin.f32 v58, v60;
	v32, _, _ =	vpop (xrf1);
	(xrf1) =	vsort.ascd.msk.f32 $0xffff, v61, v61  }
0x226: {  	v33 =	vmin.f32 v55, v56;
	v17 =	vmax.f32 v55, v56;
	v34, _, _ =	vpop (xrf1);
	(xrf1) =	vsort.ascd.msk.f32 $0xffff, v31, v31  }
0x227: {  	v35 =	vmin.f32 v22, v26;
	v36 =	vmin.f32 v25, v62;
	v27, _, _ =	vpop (xrf1);
	(xrf1) =	vsort.dscd.msk.f32 $0xffff, v17, v17  }
0x228: {  	v37 =	vmax.f32 v22, v26;
	v38 =	vmin.f32 v35, v36;
	v39, _, _ =	vpop (xrf1);
	(xrf1) =	vsort.dscd.msk.f32 $0xffff, v33, v33  }
0x229: {  	v40 =	vmax.f32 v25, v62;
	v19 =	vmax.f32 v35, v36;
	v41, _, _ =	vpop (xrf1);
	(xrf1) =	vsort.ascd.msk.f32 $0xffff, v38, v38  }
0x22a: {  	v43 =	vmin.f32 v37, v40;
	v17 =	vmax.f32 v37, v40;
	v44, _, _ =	vpop (xrf1);
	(xrf1) =	vsort.ascd.msk.f32 $0xffff, v19, v19  }
0x22b: {  	v42 =	vmax.f32 v32, v27;
	v45 =	vmax.f32 v34, v39;
	v46, _, _ =	vpop (xrf1);
	(xrf1) =	vsort.ascd.msk.f32 $0xffff, v43, v43  }
0x22c: {  	v28 =	vmax.f32 v42, v45;
	v19 =	vmin.f32 v42, v45;
	v29, _, _ =	vpop (xrf1);
	(xrf1) =	vsort.ascd.msk.f32 $0xffff, v17, v17  }
0x22d: {  	v47 =	vmax.f32 v41, v46;
	v48 =	vmax.f32 v44, v29;
	(xrf1) =	vsort.dscd.msk.f32 $0xffff, v28, v28  }
0x22e: {  	v20 =	vmin.f32 v32, v27;
	v49 =	vmin.f32 v47, v48;
	(xrf1) =	vsort.dscd.msk.f32 $0xffff, v19, v19  }
0x22f: {  	v18 =	vmin.f32 v34, v39;
	v17 =	vmax.f32 v47, v48;
	(xrf1) =	vsort.ascd.msk.f32 $0xffff, v49, v49  }
0x230: {  	v51 =	vmin.f32 v63, v10;
	v50 =	vmax.f32 v20, v18;
	(xrf1) =	vsort.ascd.msk.f32 $0xffff, v17, v17  }
0x231: {  	v16 =	vmax.f32 v54, v7;
	v18 =	vmin.f32 v20, v18;
	(xrf1) =	vsort.dscd.msk.f32 $0xffff, v50, v50  }
0x232: {  	v52 =	vmin.f32 v16, v12;
	v15 =	vmax.f32 v58, v60;
	v13, _, _ =	vpop (xrf1);
	(xrf1) =	vsort.dscd.msk.f32 $0xffff, v18, v18  }
0x233: {  	v53 =	vmax.f32 v63, v10;
	v54 =	vmin.f32 v51, v52;
	v7, _, _ =	vpop (xrf1);
	(xrf1) =	vsort.ascd.msk.f32 $0xffff, v15, v15  }
0x234: {  	v55 =	vmax.f32 v16, v12;
	v56 =	vmax.f32 v51, v52;
	v8, _, _ =	vpop (xrf1);
	(xrf1) =	vsort.ascd.msk.f32 $0xffff, v54, v54  }
0x235: {  	v9 =	vmin.f32 v9, v11;
	v57 =	vmin.f32 v53, v55;
	v58, _, _ =	vpop (xrf1);
	(xrf1) =	vsort.ascd.msk.f32 $0xffff, v56, v56  }
0x236: {  	v59 =	vmin.f32 v14, v9;
	v10 =	vmax.f32 v53, v55;
	v60, _, _ =	vpop (xrf1);
	(xrf1) =	vsort.ascd.msk.f32 $0xffff, v57, v57  }
0x237: {  	v61 =	vmin.f32 v41, v46;
	v62 =	vmin.f32 v44, v29;
	v63, _, _ =	vpop (xrf1);
	(xrf1) =	vsort.ascd.msk.f32 $0xffff, v10, v10  }
0x238: {  	v21 =	vmin.f32 v61, v62;
	v22, _, _ =	vpop (xrf1);
	(xrf1) =	vsort.ascd.msk.f32 $0xffff, v59, v59  }
0x239: {  	v9 =	vmax.f32 v14, v9;
	v23, _, _ =	vpop (xrf1);
	(xrf1) =	vsort.ascd.msk.f32 $0xffff, v21, v21  }
0x23a: {  	v24 =	vmax.f32 v61, v62;
	v25, _, _ =	vpop (xrf1);
	(xrf1) =	vsort.ascd.msk.f32 $0xffff, v9, v9  }
0x23b: {  	v27, _, _ =	vpop (xrf1);
	(xrf1) =	vsort.ascd.msk.f32 $0xffff, v24, v24  }
0x23c: {  	v1 =	vmax.f32 v1, v6;
	v0 =	vmax.f32 v0, v2;
	v29, _, _ =	vpop (xrf1)  }
0x23d: {  	v26 =	vmin.f32 v3, v4;
	v28 =	vmin.f32 v1, v0;
	v0 =	vmax.f32 v1, v0;
	v30, _, _ =	vpop (xrf1)  }
0x23e: {  	(xrf1) =	vsort.ascd.msk.f32 $0xffff, v26, v26;
	v32 =	vmin.f32 v63, v27;
	v3 =	vmax.f32 v63, v27;
	v31, _, _ =	vpop (xrf1)  }
0x23f: {  	(xrf1) =	vsort.ascd.msk.f32 $0xffff, v28, v28;
	v36 =	vmin.f32 v22, v29;
	v6 =	vmax.f32 v22, v29;
	v35, _, _ =	vpop (xrf1)  }
0x240: {  	(xrf1) =	vsort.ascd.msk.f32 $0xffff, v0, v0;
	v33 =	vmax.f32 v30, v58;
	v34 =	vmax.f32 v31, v60;
	v37, _, _ =	vpop (xrf1)  }
0x241: {  	v1 =	vmin.f32 v30, v58;
	v2 =	vmin.f32 v31, v60;
	v4 =	vmax.f32 v33, v34;
	v19, _, _ =	vpop (xrf1)  }
0x242: {  	v38 =	vmin.f32 v23, v35;
	v11 =	vmax.f32 v23, v35;
	v48 =	vmin.f32 v33, v34;
	v12, _, _ =	vpop (xrf1)  }
0x243: {  	v39 =	vmin.f32 v25, v37;
	v10 =	vmax.f32 v25, v37;
	v47 =	vmax.f32 v32, v38;
	v9, _, _ =	vpop (xrf1)  }
0x244: {  	v50 =	vmin.f32 v3, v11;
	v49 =	vmax.f32 v36, v39;
	(xrf1) =	vsort.dscd.msk.f32 $0xffff, v4, v4;
	v4, _, _ =	vpop (xrf1)  }
0x245: {  	v3 =	vmax.f32 v3, v11;
	v51 =	vmin.f32 v47, v49;
	(xrf1) =	vsort.dscd.msk.f32 $0xffff, v48, v48;
	v17, _, _ =	vpop (xrf1)  }
0x246: {  	v52 =	vmin.f32 v6, v10;
	v16 =	vmax.f32 v47, v49;
	(xrf1) =	vsort.ascd.msk.f32 $0xffff, v51, v51;
	v11, _, _ =	vpop (xrf1)  }
0x247: {  	v6 =	vmax.f32 v6, v10;
	v53 =	vmin.f32 v50, v52;
	(xrf1) =	vsort.ascd.msk.f32 $0xffff, v16, v16;
	v54, _, _ =	vpop (xrf1)  }
0x248: {  	v21 =	vmax.f32 v50, v52;
	v56 =	vmin.f32 v3, v6;
	(xrf1) =	vsort.ascd.msk.f32 $0xffff, v53, v53;
	v10, _, _ =	vpop (xrf1)  }
0x249: {  	v3 =	vmax.f32 v3, v6;
	v55 =	vmin.f32 v54, v1;
	(xrf1) =	vsort.ascd.msk.f32 $0xffff, v21, v21;
	v57, _, _ =	vpop (xrf1)  }
0x24a: {  	v1 =	vmax.f32 v54, v1;
	(xrf1) =	vsort.ascd.msk.f32 $0xffff, v56, v56;
	v58 =	vmax.f32 v57, v2  }
0x24b: {  	v2 =	vmin.f32 v57, v2;
	(xrf1) =	vsort.ascd.msk.f32 $0xffff, v3, v3;
	v59 =	vmax.f32 v1, v58  }
0x24c: {  	v60 =	vmax.f32 v55, v2;
	v2 =	vmin.f32 v55, v2;
	(xrf1) =	vsort.dscd.msk.f32 $0xffff, v59, v59  }
0x24d: {  	v1 =	vmin.f32 v1, v58;
	(xrf1) =	vsort.dscd.msk.f32 $0xffff, v60, v60  }
0x24e: {  	(xrf1) =	vsort.dscd.msk.f32 $0xffff, v2, v2  }
0x24f: {  	v2, _, _ =	vpop (xrf1);
	(xrf1) =	vsort.dscd.msk.f32 $0xffff, v1, v1  }
0x250: {  	v1, _, _ =	vpop (xrf1)  }
0x251: {  	v3, _, _ =	vpop (xrf1)  }
0x252: {  	v61, _, _ =	vpop (xrf1)  }
0x253: {  	v62, _, _ =	vpop (xrf1)  }
0x254: {  	v63, _, _ =	vpop (xrf1)  }
0x255: {  	v40, _, _ =	vpop (xrf1)  }
0x256: {  	v41, _, _ =	vpop (xrf1)  }
0x257: {  	v42, _, _ =	vpop (xrf1)  }
0x258: {  	v43, _, _ =	vpop (xrf1)  }
0x259: {  	v44, _, _ =	vpop (xrf1)  }
0x25a: {  	v45, _, _ =	vpop (xrf1)  }
0x25b: {  	v0 =	vmin.f32 v32, v38;
	v46, _, _ =	vpop (xrf1)  }
0x25c: {  	v14 =	vmin.f32 v36, v39;
	v15 =	vmax.f32 v63, v61;
	v49 =	vmax.f32 v40, v62;
	v48, _, _ =	vpop (xrf1)  }
0x25d: {  	v47 =	vmax.f32 v41, v45;
	v30 =	vmax.f32 v43, v46;
	v31 =	vmax.f32 v44, v48;
	v32, _, _ =	vpop (xrf1)  }
0x25e: {  	v34 =	vmin.f32 v15, v30;
	v33 =	vmax.f32 v42, v32;
	v35 =	vmin.f32 v49, v31  }
0x25f: {  	v36 =	vmin.f32 v0, v14;
	v37 =	vmax.f32 v47, v34;
	v38 =	vmax.f32 v33, v35  }
0x260: {  	(xrf1) =	vsort.ascd.msk.f32 $0xffff, v36, v36;
	v50 =	vmax.f32 v37, v38  }
0x261: {  	v0 =	vmax.f32 v0, v14;
	(xrf1) =	vsort.ascd.msk.f32 $0xffff, v50, v50  }
0x262: {  	(xrf1) =	vsort.ascd.msk.f32 $0xffff, v0, v0;
	_ =	sdelay $0xb  }
0x263: {  	v51 =	vmin.f32 v63, v61;
	v52 =	vmin.f32 v40, v62;
	v18 =	vmin.f32 v43, v46;
	v54, _, _ =	vpop (xrf1)  }
0x264: {  	v53 =	vmin.f32 v41, v45;
	v56 =	vmin.f32 v44, v48;
	v58 =	vmin.f32 v51, v18;
	v57, _, _ =	vpop (xrf1)  }
0x265: {  	v55 =	vmin.f32 v42, v32;
	v59 =	vmin.f32 v52, v56;
	v6 =	vmax.f32 v52, v56;
	v60, _, _ =	vpop (xrf1)  }
0x266: {  	v61 =	vmin.f32 v54, v53;
	v14 =	vmax.f32 v54, v53;
	v62 =	vmin.f32 v60, v55  }
0x267: {  	v63 =	vmin.f32 v61, v58;
	v0 =	vmax.f32 v51, v18;
	v28 =	vmin.f32 v62, v59  }
0x268: {  	v21 =	vmax.f32 v61, v58;
	v40 =	vmin.f32 v14, v0;
	v32 =	vmin.f32 v63, v28  }
0x269: {  	[tilespmem:s20+$0xC430] =	vst v5;
	v36 =	vmax.f32 v62, v59;
	v16 =	vmax.f32 v63, v28;
	(xrf1) =	vsort.ascd.msk.f32 $0xffff, v32, v32  }
0x26a: {  	[tilespmem:s20+$0xC000] =	vst v13;
	v20 =	vmax.f32 v60, v55;
	v39 =	vmin.f32 v21, v36;
	(xrf1) =	vsort.ascd.msk.f32 $0xffff, v16, v16  }
0x26b: {  	[tilespmem:s20+$0xC010] =	vst v7;
	v41 =	vmin.f32 v20, v6;
	v5 =	vmax.f32 v21, v36;
	(xrf1) =	vsort.ascd.msk.f32 $0xffff, v39, v39  }
0x26c: {  	[tilespmem:s20+$0xC020] =	vst v8;
	v0 =	vmax.f32 v14, v0;
	v42 =	vmin.f32 v40, v41;
	(xrf1) =	vsort.ascd.msk.f32 $0xffff, v5, v5  }
0x26d: {  	[tilespmem:s20+$0xC030] =	vst v19;
	v6 =	vmax.f32 v20, v6;
	v7 =	vmax.f32 v40, v41;
	(xrf1) =	vsort.ascd.msk.f32 $0xffff, v42, v42  }
0x26e: {  	[tilespmem:s20+$0xC040] =	vst v12;
	v43 =	vmin.f32 v47, v34;
	v44 =	vmin.f32 v0, v6;
	(xrf1) =	vsort.ascd.msk.f32 $0xffff, v7, v7  }
0x26f: {  	[tilespmem:s20+$0xC050] =	vst v9;
	v45 =	vmin.f32 v33, v35;
	v0 =	vmax.f32 v0, v6;
	(xrf1) =	vsort.ascd.msk.f32 $0xffff, v44, v44  }
0x270: {  	[tilespmem:s20+$0xC060] =	vst v4;
	v46 =	vmin.f32 v43, v45;
	(xrf1) =	vsort.ascd.msk.f32 $0xffff, v0, v0  }
0x271: {  	[tilespmem:s20+$0xC070] =	vst v17;
	v47 =	vmax.f32 v15, v30;
	v5 =	vmax.f32 v43, v45;
	(xrf1) =	vsort.ascd.msk.f32 $0xffff, v46, v46  }
0x272: {  	[tilespmem:s20+$0xC400] =	vst v11;
	v48 =	vmax.f32 v49, v31;
	v49 =	vmin.f32 v37, v38;
	(xrf1) =	vsort.ascd.msk.f32 $0xffff, v5, v5  }
0x273: {  	[tilespmem:s20+$0xC410] =	vst v10;
	v50 =	vmin.f32 v47, v48;
	(xrf1) =	vsort.ascd.msk.f32 $0xffff, v49, v49  }
0x274: {  	[tilespmem:s20+$0xC420] =	vst v2;
	v0 =	vmax.f32 v47, v48;
	(xrf1) =	vsort.ascd.msk.f32 $0xffff, v50, v50  }
0x275: {  	[tilespmem:s20+$0xC440] =	vst v1;
	(xrf1) =	vsort.ascd.msk.f32 $0xffff, v0, v0  }
0x276: {  	[tilespmem:s20+$0xC450] =	vst v3  }
0x277: {  	[tilespmem:s21+$0xC430] =	vst v57;
	v51, _, _ =	vpop (xrf1)  }
0x278: {  	[tilespmem:s21+$0xC000] =	vst v51;
	v52, _, _ =	vpop (xrf1)  }
0x279: {  	[tilespmem:s21+$0xC010] =	vst v52;
	v53, _, _ =	vpop (xrf1)  }
0x27a: {  	[tilespmem:s21+$0xC020] =	vst v53;
	v54, _, _ =	vpop (xrf1)  }
0x27b: {  	[tilespmem:s21+$0xC030] =	vst v54;
	v55, _, _ =	vpop (xrf1)  }
0x27c: {  	[tilespmem:s21+$0xC040] =	vst v55;
	v56, _, _ =	vpop (xrf1)  }
0x27d: {  	[tilespmem:s21+$0xC050] =	vst v56;
	v57, _, _ =	vpop (xrf1)  }
0x27e: {  	[tilespmem:s21+$0xC060] =	vst v57;
	v58, _, _ =	vpop (xrf1)  }
0x27f: {  	s18 =	sadd.s32 $0x1, s18;
	[tilespmem:s21+$0xC070] =	vst v58;
	v59, _, _ =	vpop (xrf1)  }
0x280: {  	p0 =	sne.s32 s18, $0x2A;
	[tilespmem:s21+$0xC400] =	vst v59;
	v60, _, _ =	vpop (xrf1)  }
.Ltmp5:
0x281: {  	[tilespmem:s21+$0xC410] =	vst v60;
	v61, _, _ =	vpop (xrf1);
	(pc) =	sbr.rel @p0 .LBB2_2-.Ltmp5, $4  }
0x282: {  	[tilespmem:s21+$0xC420] =	vst v61;
	v62, _, _ =	vpop (xrf1)  }
0x283: {  	[tilespmem:s21+$0xC440] =	vst v62;
	v63, _, _ =	vpop (xrf1)  }
0x284: {  	s19 =	sadd.s32 s3, s19;
	[tilespmem:s21+$0xC450] =	vst v63  }
0x285: {  	[hbm4b:s19+s4] =	stream.linear.scatter [tilespmem:s15], [sflag:$0x4], $0x4000, $0x38;
	[tilespmem:$0x10000] =	vst v63  }
0x286: {  	s17 =	sadd.s32 $0x1, s17  }
0x287: {  	_ =	swait.ge [sflag:s16], $0x4000;
	p0 =	sne.s32 s17, s9  }
.Ltmp6:
0x288: {  	[sflag:s16] =	ssyncset.done $0x0;
	(pc) =	sbr.rel @p0 .LBB2_1-.Ltmp6, $4  }
0x289: {  	[sflag:s16] =	ssyncadd.s32 $0xFFFFC000  }
0x28a: {  	_ =	swait.ge [sflag:s14], $0x4000  }
0x28b: {  	[sflag:s14] =	ssyncset.done $0x0  }
0x28c: {  	[sflag:s14] =	ssyncadd.s32 $0xFFFFC000  }
0x28d: {  	_ =	sfence.sel $0x180000  }
0x28e: {  	[bflag:$0x0] =	sbarrier.arrive $0xFFFF  }
0x28f: {  	p0 =	sne.s32 s0, $0x0;
	_ =	strace $0x90000047  }
0x290: {  	s0 =	sadd.s32 @!p0 $0x100000, s1;
	[bflag:$0x2] =	sbarrier.arrive $0xFFFF  }
0x291: {  	[sflag:s0] =	ssyncadd.tile.s32 @!p0 $0x1;
	_ =	shalt  }
.Lfunc_end2:
_tile_overlayer_lowered:
.L_overlay_start_2:
0x292: {  	(tag) =	ssettag $0x2  }
0x293: {  	s0 =	rddreg [dreg:$0x0];
	s2 =	stileid.u32  }
0x294: {  	s1 =	rddreg [dreg:$0x1];
	p0 =	sne.s32 s2, $0x0  }
0x295: {  	s3 =	rddreg [dreg:$0x2];
	[bflag:$0x3] =	sbarrier.arrive $0xFFFF;
	s2 =	simm.s32 @!p0 $0x1C05  }
0x296: {  	[timem:s3], [sflag:s2] =	dma.local @!p0 [hbm:s0], s1  }
0x297: {  	s0 =	simm.s32 @!p0 $0x5  }
0x298: {  	_ =	swait.ge @!p0 [sflag:s0], s1  }
0x299: {  	s1 =	ssub.s32 @!p0 $0x0, s1;
	[sflag:s0] =	ssyncset.done @!p0 $0x0  }
0x29a: {  	[sflag:s0] =	ssyncadd.s32 @!p0 s1  }
0x29b: {  	[bflag:$0x3] =	sbarrier.arrive $0xFFFF  }
0x29c: {  	_ =	shalt  }

</sc_bundles>
